<compile_context>
chip_gen: v7x
topology: tpu7x:2x2x1
jax: 0.10.2.dev20260603
libtpu: 0.0.44.dev20260713+nightly
codegen_flags: <defaults>
</compile_context>

<pallas_src>
import functools

import jax
import jax.numpy as jnp
from jax import lax
from jax.experimental import pallas as pl
from jax.experimental.pallas import tpu as pltpu
from jax.experimental.pallas import tpu_sc as plsc

E = 160000
D = 128
K = 4
NC, NS, L = 2, 16, 16
NW = NC * NS
C = 64
EPW = -(-E // (NW * C)) * C
EP = NW * EPW
NCH = EPW // C
G = C // L


def _sc_scores(vac, adj, pe0, pe1, negf):
    mesh = plsc.VectorSubcoreMesh(core_axis_name="c", subcore_axis_name="s")
    sds = jax.ShapeDtypeStruct((EP,), jnp.float32)

    @functools.partial(
        pl.kernel,
        mesh=mesh,
        out_type=[sds, sds, sds, sds, sds],
        compiler_params=pltpu.CompilerParams(needs_layout_passes=False),
        scratch_types=[
            pltpu.VMEM((C,), jnp.int32),
            pltpu.VMEM((C,), jnp.int32),
            pltpu.VMEM((2, 2 * C), jnp.int32),
            pltpu.VMEM((C, D), jnp.float32),
            pltpu.VMEM((C, D), jnp.float32),
            pltpu.VMEM((K * C, D), jnp.float32),
            pltpu.VMEM((EPW,), jnp.float32),
            pltpu.VMEM((EPW,), jnp.float32),
            pltpu.VMEM((EPW,), jnp.float32),
            pltpu.VMEM((EPW,), jnp.float32),
            pltpu.VMEM((EPW,), jnp.float32),
            pltpu.SemaphoreType.DMA,
        ],
    )
    def k(vac_h, adj_h, pe0_h, pe1_h, negf_h,
          op_h, o0_h, o1_h, o2_h, o3_h,
          idx0, idx1, idxn, pvb, pab, nbb, sp, s0, s1, s2, s3, sem):
        wid = lax.axis_index("s") * NC + lax.axis_index("c")
        base = wid * EPW

        def chunk_body(c, carry_none):
            b = base + c * C
            co = c * C
            pltpu.sync_copy(pe0_h.at[pl.ds(b, C)], idx0)
            pltpu.sync_copy(pe1_h.at[pl.ds(b, C)], idx1)
            pltpu.sync_copy(negf_h.at[pl.ds(K * b, 2 * C)], idxn.at[0])
            pltpu.sync_copy(negf_h.at[pl.ds(K * b + 2 * C, 2 * C)], idxn.at[1])
            h1 = pltpu.async_copy(vac_h.at[idx0], pvb, sem)
            h2 = pltpu.async_copy(adj_h.at[idx1], pab, sem)
            h3 = pltpu.async_copy(adj_h.at[idxn.at[0]], nbb.at[pl.ds(0, 2 * C)], sem)
            h4 = pltpu.async_copy(adj_h.at[idxn.at[1]], nbb.at[pl.ds(2 * C, 2 * C)], sem)
            h1.wait()
            h2.wait()
            h3.wait()
            h4.wait()

            mask_l0 = lax.iota(jnp.int32, L) == 0
            zf = jnp.zeros((L,), jnp.float32)

            def edge_body(e, inner_none):
                accp = zf
                a0 = zf
                a1 = zf
                a2 = zf
                a3 = zf
                r = e * K
                for j in range(D // L):
                    sl = pl.ds(j * L, L)
                    pv = pvb[e, sl]
                    accp = accp + pv * pab[e, sl]
                    a0 = a0 + pv * nbb[r + 0, sl]
                    a1 = a1 + pv * nbb[r + 1, sl]
                    a2 = a2 + pv * nbb[r + 2, sl]
                    a3 = a3 + pv * nbb[r + 3, sl]
                iv = jnp.full((L,), co + e, jnp.int32)
                for buf, acc in ((sp, accp), (s0, a0), (s1, a1),
                                 (s2, a2), (s3, a3)):
                    tot = lax.rev(jnp.cumsum(acc), (0,))
                    plsc.store_scatter(buf, [iv], tot, mask=mask_l0)
                return inner_none

            lax.fori_loop(0, C, edge_body, None, unroll=2)
            return carry_none

        lax.fori_loop(0, NCH, chunk_body, None)
        sl = pl.ds(base, EPW)
        pltpu.sync_copy(sp, op_h.at[sl])
        pltpu.sync_copy(s0, o0_h.at[sl])
        pltpu.sync_copy(s1, o1_h.at[sl])
        pltpu.sync_copy(s2, o2_h.at[sl])
        pltpu.sync_copy(s3, o3_h.at[sl])

    return k(vac, adj, pe0, pe1, negf)


def _epilogue(p, n0, n1, n2, n3):
    def body(p_ref, a0_ref, a1_ref, a2_ref, a3_ref, o_ref):
        ps = p_ref[...]
        a0 = a0_ref[...]
        a1 = a1_ref[...]
        a2 = a2_ref[...]
        a3 = a3_ref[...]
        pos = jnp.logaddexp(0.0, -ps)
        m = jnp.maximum(jnp.maximum(a0, a1), jnp.maximum(a2, a3))
        e0 = jnp.exp(a0 - m)
        e1 = jnp.exp(a1 - m)
        e2 = jnp.exp(a2 - m)
        e3 = jnp.exp(a3 - m)
        z = e0 + e1 + e2 + e3
        neg = (e0 * jnp.logaddexp(0.0, a0) + e1 * jnp.logaddexp(0.0, a1)
               + e2 * jnp.logaddexp(0.0, a2) + e3 * jnp.logaddexp(0.0, a3)) / z
        o_ref[...] = ((jnp.sum(pos) + jnp.sum(neg)) / E).reshape(1, 1)

    out = pl.pallas_call(
        body,
        out_shape=jax.ShapeDtypeStruct((1, 1), jnp.float32),
    )(p, n0, n1, n2, n3)
    return out[0, 0]


def kernel(vaccine_embeddings, adjuvant_embeddings, positive_edges, negative_samples):
    pad = EP - E
    pe0 = jnp.concatenate([positive_edges[:, 0], jnp.zeros((pad,), jnp.int32)])
    pe1 = jnp.concatenate([positive_edges[:, 1], jnp.zeros((pad,), jnp.int32)])
    negf = jnp.concatenate(
        [negative_samples.reshape(-1), jnp.zeros((K * pad,), jnp.int32)])
    sp, s0, s1, s2, s3 = _sc_scores(
        vaccine_embeddings, adjuvant_embeddings, pe0, pe1, negf)
    r = (E // D, D)
    return _epilogue(
        sp[:E].reshape(r), s0[:E].reshape(r), s1[:E].reshape(r),
        s2[:E].reshape(r), s3[:E].reshape(r))

# --- scband reference (transcript-rebuilt; emitter-appended) ---
"""Pipeline reference for scband-link-prediction-head-50903952392277 (READ-ONLY COPY).

The authoritative reference and input builder live on the scoring server;
editing this copy changes nothing except your own understanding.
"""

import jax, jax.numpy as jnp
import numpy as np

TEMPERATURE = 1.0


def setup_inputs(seed: int = 0) -> dict:
    key = jax.random.key(seed)
    k1, k2, k3, k4 = jax.random.split(key, 4)
    vaccine_embeddings = jax.random.normal(k1, (10000, 128), dtype=jnp.float32)
    adjuvant_embeddings = jax.random.normal(k2, (10000, 128), dtype=jnp.float32)
    positive_edges = jax.random.randint(k3, (160000, 2), 0, 10000)
    negative_samples = jax.random.randint(k4, (160000, 4), 0, 10000)
    return {
        "vaccine_embeddings": vaccine_embeddings,
        "adjuvant_embeddings": adjuvant_embeddings,
        "positive_edges": positive_edges,
        "negative_samples": negative_samples,
    }


def reference(vaccine_embeddings, adjuvant_embeddings, positive_edges, negative_samples):
    # gather endpoint embeddings for positive edges
    pos_v = jnp.take(vaccine_embeddings, positive_edges[:, 0], axis=0)
    pos_a = jnp.take(adjuvant_embeddings, positive_edges[:, 1], axis=0)
    pos_scores = jnp.sum(pos_v * pos_a, axis=1)
    # BCE-with-logits against target=1: softplus(-x)
    pos_loss = jnp.mean(jnp.logaddexp(0.0, -pos_scores))

    # negatives: [E, K, d] gather then dot with broadcast pos_v
    neg_v = pos_v[:, None, :]
    neg_a = jnp.take(adjuvant_embeddings, negative_samples, axis=0)
    neg_scores = jnp.sum(neg_v * neg_a, axis=-1)
    # BCE-with-logits against target=0: softplus(x)
    bce = jnp.logaddexp(0.0, neg_scores)
    weights = jax.nn.softmax(neg_scores * TEMPERATURE, axis=1)
    neg_loss = jnp.mean(jnp.sum(weights * bce, axis=1))
    return pos_loss + neg_loss

if __name__ == "__main__":
    import jax
    _d = setup_inputs()
    print(jax.jit(kernel)(*tuple(_d.values())))

</pallas_src>

<mosaic_0001>
#map = affine_map<(d0, d1) -> (0, 0)>
#map1 = affine_map<(d0, d1) -> (0)>
module attributes {stable_mosaic.version = 14 : i64} {
  func.func @k(%arg0: i32, %arg1: i32, %arg2: memref<10000x128xf32, #tpu.memory_space<hbm>>, %arg3: memref<10000x128xf32, #tpu.memory_space<hbm>>, %arg4: memref<161792xi32, #tpu.memory_space<hbm>>, %arg5: memref<161792xi32, #tpu.memory_space<hbm>>, %arg6: memref<647168xi32, #tpu.memory_space<hbm>>, %arg7: memref<161792xf32, #tpu.memory_space<hbm>>, %arg8: memref<161792xf32, #tpu.memory_space<hbm>>, %arg9: memref<161792xf32, #tpu.memory_space<hbm>>, %arg10: memref<161792xf32, #tpu.memory_space<hbm>>, %arg11: memref<161792xf32, #tpu.memory_space<hbm>>, %arg12: memref<64xi32, #tpu.memory_space<vmem>>, %arg13: memref<64xi32, #tpu.memory_space<vmem>>, %arg14: memref<2x128xi32, #tpu.memory_space<vmem>>, %arg15: memref<64x128xf32, #tpu.memory_space<vmem>>, %arg16: memref<64x128xf32, #tpu.memory_space<vmem>>, %arg17: memref<256x128xf32, #tpu.memory_space<vmem>>, %arg18: memref<5056xf32, #tpu.memory_space<vmem>>, %arg19: memref<5056xf32, #tpu.memory_space<vmem>>, %arg20: memref<5056xf32, #tpu.memory_space<vmem>>, %arg21: memref<5056xf32, #tpu.memory_space<vmem>>, %arg22: memref<5056xf32, #tpu.memory_space<vmem>>, %arg23: memref<!tpu.dma_semaphore, #tpu.memory_space<semaphore_mem>>) attributes {dimension_semantics = [#tpu.dimension_semantics<core_parallel>, #tpu.dimension_semantics<subcore_parallel>], iteration_bounds = array<i64: 2, 16>, scalar_prefetch = 0 : i64, scratch_operands = 12 : i64, tpu.core_type = #tpu.core_type<sc_vector_subcore>, window_params = [{transform_indices = #map}, {transform_indices = #map}, {transform_indices = #map1}, {transform_indices = #map1}, {transform_indices = #map1}, {transform_indices = #map1}, {transform_indices = #map1}, {transform_indices = #map1}, {transform_indices = #map1}, {transform_indices = #map1}]} {
    %mul3A = arith.constant 2 : i32
    %mul3A_0 = arith.muli %arg1, %mul3A : i32
    %add3A = arith.addi %mul3A_0, %arg0 : i32
    %mul3A_1 = arith.constant 5056 : i32
    %mul3A_2 = arith.muli %add3A, %mul3A_1 : i32
    %scan3A = arith.constant 0 : i32
    %scan3A_3 = arith.constant 79 : i32
    %scan3A_4 = arith.addi %scan3A, %scan3A_3 : i32
    %scan3A_5 = arith.constant 1 : i32
    scf.for %scan3A_7 = %scan3A to %scan3A_4 step %scan3A_5  : i32 {
      %mul3A_8 = arith.constant 64 : i32
      %mul3A_9 = arith.muli %scan3A_7, %mul3A_8 : i32
      %add3A_10 = arith.addi %mul3A_2, %mul3A_9 : i32
      %mul3A_11 = arith.constant 64 : i32
      %mul3A_12 = arith.muli %scan3A_7, %mul3A_11 : i32
      "tpu.region"() ({
        %run_scoped3A_78 = tpu.sem_alloc : memref<!tpu.dma_semaphore, #tpu.memory_space<semaphore_mem>>
        %dma_start3A_79 = tpu.memref_slice %arg4[%add3A_10] : memref<161792xi32, #tpu.memory_space<hbm>> -> memref<64xi32, #tpu.memory_space<hbm>>
        %dma_start3A_80 = tpu.memref_slice %arg4[%add3A_10] : memref<161792xi32, #tpu.memory_space<hbm>> -> memref<64xi32, #tpu.memory_space<hbm>>
        tpu.enqueue_dma source(%dma_start3A_80 : memref<64xi32, #tpu.memory_space<hbm>>) target(%arg12 : memref<64xi32, #tpu.memory_space<vmem>>) target_semaphore(%run_scoped3A_78 : memref<!tpu.dma_semaphore, #tpu.memory_space<semaphore_mem>>)
        %dma_wait3A_81 = tpu.memref_slice %arg4[%add3A_10] : memref<161792xi32, #tpu.memory_space<hbm>> -> memref<64xi32, #tpu.memory_space<hbm>>
        %dma_wait3A_82 = tpu.memref_slice %arg4[%add3A_10] : memref<161792xi32, #tpu.memory_space<hbm>> -> memref<64xi32, #tpu.memory_space<hbm>>
        tpu.wait_dma2 semaphore(%run_scoped3A_78 : memref<!tpu.dma_semaphore, #tpu.memory_space<semaphore_mem>>) src(%dma_wait3A_82 : memref<64xi32, #tpu.memory_space<hbm>>) dst(%arg12 : memref<64xi32, #tpu.memory_space<vmem>>)
        tpu.yield
      }) : () -> ()
      "tpu.region"() ({
        %run_scoped3A_78 = tpu.sem_alloc : memref<!tpu.dma_semaphore, #tpu.memory_space<semaphore_mem>>
        %dma_start3A_79 = tpu.memref_slice %arg5[%add3A_10] : memref<161792xi32, #tpu.memory_space<hbm>> -> memref<64xi32, #tpu.memory_space<hbm>>
        %dma_start3A_80 = tpu.memref_slice %arg5[%add3A_10] : memref<161792xi32, #tpu.memory_space<hbm>> -> memref<64xi32, #tpu.memory_space<hbm>>
        tpu.enqueue_dma source(%dma_start3A_80 : memref<64xi32, #tpu.memory_space<hbm>>) target(%arg13 : memref<64xi32, #tpu.memory_space<vmem>>) target_semaphore(%run_scoped3A_78 : memref<!tpu.dma_semaphore, #tpu.memory_space<semaphore_mem>>)
        %dma_wait3A_81 = tpu.memref_slice %arg5[%add3A_10] : memref<161792xi32, #tpu.memory_space<hbm>> -> memref<64xi32, #tpu.memory_space<hbm>>
        %dma_wait3A_82 = tpu.memref_slice %arg5[%add3A_10] : memref<161792xi32, #tpu.memory_space<hbm>> -> memref<64xi32, #tpu.memory_space<hbm>>
        tpu.wait_dma2 semaphore(%run_scoped3A_78 : memref<!tpu.dma_semaphore, #tpu.memory_space<semaphore_mem>>) src(%dma_wait3A_82 : memref<64xi32, #tpu.memory_space<hbm>>) dst(%arg13 : memref<64xi32, #tpu.memory_space<vmem>>)
        tpu.yield
      }) : () -> ()
      %mul3A_13 = arith.constant 4 : i32
      %mul3A_14 = arith.muli %mul3A_13, %add3A_10 : i32
      %run_scoped3A = arith.constant 0 : i32
      "tpu.region"() ({
        %run_scoped3A_78 = tpu.sem_alloc : memref<!tpu.dma_semaphore, #tpu.memory_space<semaphore_mem>>
        %dma_start3A_79 = arith.constant 0 : i32
        %dma_start3A_80 = tpu.memref_slice %arg14[%run_scoped3A, %dma_start3A_79] : memref<2x128xi32, #tpu.memory_space<vmem>> -> memref<1x128xi32, #tpu.memory_space<vmem>>
        %dma_start3A_81 = tpu.memref_squeeze %dma_start3A_80 : memref<1x128xi32, #tpu.memory_space<vmem>> -> memref<128xi32, #tpu.memory_space<vmem>>
        %dma_start3A_82 = tpu.memref_slice %arg6[%mul3A_14] : memref<647168xi32, #tpu.memory_space<hbm>> -> memref<128xi32, #tpu.memory_space<hbm>>
        %dma_start3A_83 = arith.constant 0 : i32
        %dma_start3A_84 = tpu.memref_slice %arg14[%run_scoped3A, %dma_start3A_83] : memref<2x128xi32, #tpu.memory_space<vmem>> -> memref<1x128xi32, #tpu.memory_space<vmem>>
        %dma_start3A_85 = tpu.memref_squeeze %dma_start3A_84 : memref<1x128xi32, #tpu.memory_space<vmem>> -> memref<128xi32, #tpu.memory_space<vmem>>
        %dma_start3A_86 = tpu.memref_slice %arg6[%mul3A_14] : memref<647168xi32, #tpu.memory_space<hbm>> -> memref<128xi32, #tpu.memory_space<hbm>>
        tpu.enqueue_dma source(%dma_start3A_86 : memref<128xi32, #tpu.memory_space<hbm>>) target(%dma_start3A_85 : memref<128xi32, #tpu.memory_space<vmem>>) target_semaphore(%run_scoped3A_78 : memref<!tpu.dma_semaphore, #tpu.memory_space<semaphore_mem>>)
        %dma_wait3A_87 = arith.constant 0 : i32
        %dma_wait3A_88 = tpu.memref_slice %arg14[%run_scoped3A, %dma_wait3A_87] : memref<2x128xi32, #tpu.memory_space<vmem>> -> memref<1x128xi32, #tpu.memory_space<vmem>>
        %dma_wait3A_89 = tpu.memref_squeeze %dma_wait3A_88 : memref<1x128xi32, #tpu.memory_space<vmem>> -> memref<128xi32, #tpu.memory_space<vmem>>
        %dma_wait3A_90 = tpu.memref_slice %arg6[%mul3A_14] : memref<647168xi32, #tpu.memory_space<hbm>> -> memref<128xi32, #tpu.memory_space<hbm>>
        %dma_wait3A_91 = arith.constant 0 : i32
        %dma_wait3A_92 = tpu.memref_slice %arg14[%run_scoped3A, %dma_wait3A_91] : memref<2x128xi32, #tpu.memory_space<vmem>> -> memref<1x128xi32, #tpu.memory_space<vmem>>
        %dma_wait3A_93 = tpu.memref_squeeze %dma_wait3A_92 : memref<1x128xi32, #tpu.memory_space<vmem>> -> memref<128xi32, #tpu.memory_space<vmem>>
        %dma_wait3A_94 = tpu.memref_slice %arg6[%mul3A_14] : memref<647168xi32, #tpu.memory_space<hbm>> -> memref<128xi32, #tpu.memory_space<hbm>>
        tpu.wait_dma2 semaphore(%run_scoped3A_78 : memref<!tpu.dma_semaphore, #tpu.memory_space<semaphore_mem>>) src(%dma_wait3A_94 : memref<128xi32, #tpu.memory_space<hbm>>) dst(%dma_wait3A_93 : memref<128xi32, #tpu.memory_space<vmem>>)
        tpu.yield
      }) : () -> ()
      %mul3A_15 = arith.constant 4 : i32
      %mul3A_16 = arith.muli %mul3A_15, %add3A_10 : i32
      %add3A_17 = arith.constant 128 : i32
      %add3A_18 = arith.addi %mul3A_16, %add3A_17 : i32
      %run_scoped3A_19 = arith.constant 1 : i32
      "tpu.region"() ({
        %run_scoped3A_78 = tpu.sem_alloc : memref<!tpu.dma_semaphore, #tpu.memory_space<semaphore_mem>>
        %dma_start3A_79 = arith.constant 0 : i32
        %dma_start3A_80 = tpu.memref_slice %arg14[%run_scoped3A_19, %dma_start3A_79] : memref<2x128xi32, #tpu.memory_space<vmem>> -> memref<1x128xi32, #tpu.memory_space<vmem>>
        %dma_start3A_81 = tpu.memref_squeeze %dma_start3A_80 : memref<1x128xi32, #tpu.memory_space<vmem>> -> memref<128xi32, #tpu.memory_space<vmem>>
        %dma_start3A_82 = tpu.memref_slice %arg6[%add3A_18] : memref<647168xi32, #tpu.memory_space<hbm>> -> memref<128xi32, #tpu.memory_space<hbm>>
        %dma_start3A_83 = arith.constant 0 : i32
        %dma_start3A_84 = tpu.memref_slice %arg14[%run_scoped3A_19, %dma_start3A_83] : memref<2x128xi32, #tpu.memory_space<vmem>> -> memref<1x128xi32, #tpu.memory_space<vmem>>
        %dma_start3A_85 = tpu.memref_squeeze %dma_start3A_84 : memref<1x128xi32, #tpu.memory_space<vmem>> -> memref<128xi32, #tpu.memory_space<vmem>>
        %dma_start3A_86 = tpu.memref_slice %arg6[%add3A_18] : memref<647168xi32, #tpu.memory_space<hbm>> -> memref<128xi32, #tpu.memory_space<hbm>>
        tpu.enqueue_dma source(%dma_start3A_86 : memref<128xi32, #tpu.memory_space<hbm>>) target(%dma_start3A_85 : memref<128xi32, #tpu.memory_space<vmem>>) target_semaphore(%run_scoped3A_78 : memref<!tpu.dma_semaphore, #tpu.memory_space<semaphore_mem>>)
        %dma_wait3A_87 = arith.constant 0 : i32
        %dma_wait3A_88 = tpu.memref_slice %arg14[%run_scoped3A_19, %dma_wait3A_87] : memref<2x128xi32, #tpu.memory_space<vmem>> -> memref<1x128xi32, #tpu.memory_space<vmem>>
        %dma_wait3A_89 = tpu.memref_squeeze %dma_wait3A_88 : memref<1x128xi32, #tpu.memory_space<vmem>> -> memref<128xi32, #tpu.memory_space<vmem>>
        %dma_wait3A_90 = tpu.memref_slice %arg6[%add3A_18] : memref<647168xi32, #tpu.memory_space<hbm>> -> memref<128xi32, #tpu.memory_space<hbm>>
        %dma_wait3A_91 = arith.constant 0 : i32
        %dma_wait3A_92 = tpu.memref_slice %arg14[%run_scoped3A_19, %dma_wait3A_91] : memref<2x128xi32, #tpu.memory_space<vmem>> -> memref<1x128xi32, #tpu.memory_space<vmem>>
        %dma_wait3A_93 = tpu.memref_squeeze %dma_wait3A_92 : memref<1x128xi32, #tpu.memory_space<vmem>> -> memref<128xi32, #tpu.memory_space<vmem>>
        %dma_wait3A_94 = tpu.memref_slice %arg6[%add3A_18] : memref<647168xi32, #tpu.memory_space<hbm>> -> memref<128xi32, #tpu.memory_space<hbm>>
        tpu.wait_dma2 semaphore(%run_scoped3A_78 : memref<!tpu.dma_semaphore, #tpu.memory_space<semaphore_mem>>) src(%dma_wait3A_94 : memref<128xi32, #tpu.memory_space<hbm>>) dst(%dma_wait3A_93 : memref<128xi32, #tpu.memory_space<vmem>>)
        tpu.yield
      }) : () -> ()
      %dma_start3A = arith.constant 0 : i32
      %dma_start3A_20 = arith.constant 0 : i32
      %dma_start3A_21 = tpu.memref_slice %arg2[%dma_start3A, %dma_start3A_20] : memref<10000x128xf32, #tpu.memory_space<hbm>> -> memref<10000x128xf32, #tpu.memory_space<hbm>>
      tpu.enqueue_indirect_dma source(%dma_start3A_21 : memref<10000x128xf32, #tpu.memory_space<hbm>>) target(%arg15 : memref<64x128xf32, #tpu.memory_space<vmem>>) offsets(%arg12 : memref<64xi32, #tpu.memory_space<vmem>>) semaphore(%arg23 : memref<!tpu.dma_semaphore, #tpu.memory_space<semaphore_mem>>)
      %dma_start3A_22 = arith.constant 0 : i32
      %dma_start3A_23 = arith.constant 0 : i32
      %dma_start3A_24 = tpu.memref_slice %arg3[%dma_start3A_22, %dma_start3A_23] : memref<10000x128xf32, #tpu.memory_space<hbm>> -> memref<10000x128xf32, #tpu.memory_space<hbm>>
      tpu.enqueue_indirect_dma source(%dma_start3A_24 : memref<10000x128xf32, #tpu.memory_space<hbm>>) target(%arg16 : memref<64x128xf32, #tpu.memory_space<vmem>>) offsets(%arg13 : memref<64xi32, #tpu.memory_space<vmem>>) semaphore(%arg23 : memref<!tpu.dma_semaphore, #tpu.memory_space<semaphore_mem>>)
      %dma_start3A_25 = arith.constant 0 : i32
      %dma_start3A_26 = arith.constant 0 : i32
      %dma_start3A_27 = arith.constant 0 : i32
      %dma_start3A_28 = tpu.memref_slice %arg17[%dma_start3A_26, %dma_start3A_27] : memref<256x128xf32, #tpu.memory_space<vmem>> -> memref<128x128xf32, #tpu.memory_space<vmem>>
      %dma_start3A_29 = arith.constant 0 : i32
      %dma_start3A_30 = tpu.memref_slice %arg14[%dma_start3A_25, %dma_start3A_29] : memref<2x128xi32, #tpu.memory_space<vmem>> -> memref<1x128xi32, #tpu.memory_space<vmem>>
      %dma_start3A_31 = tpu.memref_squeeze %dma_start3A_30 : memref<1x128xi32, #tpu.memory_space<vmem>> -> memref<128xi32, #tpu.memory_space<vmem>>
      %dma_start3A_32 = arith.constant 0 : i32
      %dma_start3A_33 = arith.constant 0 : i32
      %dma_start3A_34 = tpu.memref_slice %arg3[%dma_start3A_32, %dma_start3A_33] : memref<10000x128xf32, #tpu.memory_space<hbm>> -> memref<10000x128xf32, #tpu.memory_space<hbm>>
      tpu.enqueue_indirect_dma source(%dma_start3A_34 : memref<10000x128xf32, #tpu.memory_space<hbm>>) target(%dma_start3A_28 : memref<128x128xf32, #tpu.memory_space<vmem>>) offsets(%dma_start3A_31 : memref<128xi32, #tpu.memory_space<vmem>>) semaphore(%arg23 : memref<!tpu.dma_semaphore, #tpu.memory_space<semaphore_mem>>)
      %dma_start3A_35 = arith.constant 1 : i32
      %dma_start3A_36 = arith.constant 128 : i32
      %dma_start3A_37 = arith.constant 0 : i32
      %dma_start3A_38 = tpu.memref_slice %arg17[%dma_start3A_36, %dma_start3A_37] : memref<256x128xf32, #tpu.memory_space<vmem>> -> memref<128x128xf32, #tpu.memory_space<vmem>>
      %dma_start3A_39 = arith.constant 0 : i32
      %dma_start3A_40 = tpu.memref_slice %arg14[%dma_start3A_35, %dma_start3A_39] : memref<2x128xi32, #tpu.memory_space<vmem>> -> memref<1x128xi32, #tpu.memory_space<vmem>>
      %dma_start3A_41 = tpu.memref_squeeze %dma_start3A_40 : memref<1x128xi32, #tpu.memory_space<vmem>> -> memref<128xi32, #tpu.memory_space<vmem>>
      %dma_start3A_42 = arith.constant 0 : i32
      %dma_start3A_43 = arith.constant 0 : i32
      %dma_start3A_44 = tpu.memref_slice %arg3[%dma_start3A_42, %dma_start3A_43] : memref<10000x128xf32, #tpu.memory_space<hbm>> -> memref<10000x128xf32, #tpu.memory_space<hbm>>
      tpu.enqueue_indirect_dma source(%dma_start3A_44 : memref<10000x128xf32, #tpu.memory_space<hbm>>) target(%dma_start3A_38 : memref<128x128xf32, #tpu.memory_space<vmem>>) offsets(%dma_start3A_41 : memref<128xi32, #tpu.memory_space<vmem>>) semaphore(%arg23 : memref<!tpu.dma_semaphore, #tpu.memory_space<semaphore_mem>>)
      %dma_wait3A = arith.constant 0 : i32
      %dma_wait3A_45 = arith.constant 0 : i32
      %dma_wait3A_46 = tpu.memref_slice %arg2[%dma_wait3A, %dma_wait3A_45] : memref<10000x128xf32, #tpu.memory_space<hbm>> -> memref<10000x128xf32, #tpu.memory_space<hbm>>
      tpu.wait_indirect_dma semaphore(%arg23 : memref<!tpu.dma_semaphore, #tpu.memory_space<semaphore_mem>>) src(%dma_wait3A_46 : memref<10000x128xf32, #tpu.memory_space<hbm>>) dst(%arg15 : memref<64x128xf32, #tpu.memory_space<vmem>>)
      %dma_wait3A_47 = arith.constant 0 : i32
      %dma_wait3A_48 = arith.constant 0 : i32
      %dma_wait3A_49 = tpu.memref_slice %arg3[%dma_wait3A_47, %dma_wait3A_48] : memref<10000x128xf32, #tpu.memory_space<hbm>> -> memref<10000x128xf32, #tpu.memory_space<hbm>>
      tpu.wait_indirect_dma semaphore(%arg23 : memref<!tpu.dma_semaphore, #tpu.memory_space<semaphore_mem>>) src(%dma_wait3A_49 : memref<10000x128xf32, #tpu.memory_space<hbm>>) dst(%arg16 : memref<64x128xf32, #tpu.memory_space<vmem>>)
      %dma_wait3A_50 = arith.constant 0 : i32
      %dma_wait3A_51 = arith.constant 0 : i32
      %dma_wait3A_52 = arith.constant 0 : i32
      %dma_wait3A_53 = tpu.memref_slice %arg17[%dma_wait3A_51, %dma_wait3A_52] : memref<256x128xf32, #tpu.memory_space<vmem>> -> memref<128x128xf32, #tpu.memory_space<vmem>>
      %dma_wait3A_54 = arith.constant 0 : i32
      %dma_wait3A_55 = tpu.memref_slice %arg14[%dma_wait3A_50, %dma_wait3A_54] : memref<2x128xi32, #tpu.memory_space<vmem>> -> memref<1x128xi32, #tpu.memory_space<vmem>>
      %dma_wait3A_56 = tpu.memref_squeeze %dma_wait3A_55 : memref<1x128xi32, #tpu.memory_space<vmem>> -> memref<128xi32, #tpu.memory_space<vmem>>
      %dma_wait3A_57 = arith.constant 0 : i32
      %dma_wait3A_58 = arith.constant 0 : i32
      %dma_wait3A_59 = tpu.memref_slice %arg3[%dma_wait3A_57, %dma_wait3A_58] : memref<10000x128xf32, #tpu.memory_space<hbm>> -> memref<10000x128xf32, #tpu.memory_space<hbm>>
      tpu.wait_indirect_dma semaphore(%arg23 : memref<!tpu.dma_semaphore, #tpu.memory_space<semaphore_mem>>) src(%dma_wait3A_59 : memref<10000x128xf32, #tpu.memory_space<hbm>>) dst(%dma_wait3A_53 : memref<128x128xf32, #tpu.memory_space<vmem>>)
      %dma_wait3A_60 = arith.constant 1 : i32
      %dma_wait3A_61 = arith.constant 128 : i32
      %dma_wait3A_62 = arith.constant 0 : i32
      %dma_wait3A_63 = tpu.memref_slice %arg17[%dma_wait3A_61, %dma_wait3A_62] : memref<256x128xf32, #tpu.memory_space<vmem>> -> memref<128x128xf32, #tpu.memory_space<vmem>>
      %dma_wait3A_64 = arith.constant 0 : i32
      %dma_wait3A_65 = tpu.memref_slice %arg14[%dma_wait3A_60, %dma_wait3A_64] : memref<2x128xi32, #tpu.memory_space<vmem>> -> memref<1x128xi32, #tpu.memory_space<vmem>>
      %dma_wait3A_66 = tpu.memref_squeeze %dma_wait3A_65 : memref<1x128xi32, #tpu.memory_space<vmem>> -> memref<128xi32, #tpu.memory_space<vmem>>
      %dma_wait3A_67 = arith.constant 0 : i32
      %dma_wait3A_68 = arith.constant 0 : i32
      %dma_wait3A_69 = tpu.memref_slice %arg3[%dma_wait3A_67, %dma_wait3A_68] : memref<10000x128xf32, #tpu.memory_space<hbm>> -> memref<10000x128xf32, #tpu.memory_space<hbm>>
      tpu.wait_indirect_dma semaphore(%arg23 : memref<!tpu.dma_semaphore, #tpu.memory_space<semaphore_mem>>) src(%dma_wait3A_69 : memref<10000x128xf32, #tpu.memory_space<hbm>>) dst(%dma_wait3A_63 : memref<128x128xf32, #tpu.memory_space<vmem>>)
      %iota3A = tpu.iota {dimensions = array<i32: 0>} : vector<16xi32>
      %eq3A = arith.constant 0 : i32
      %eq3A_70 = vector.broadcast %eq3A : i32 to vector<16xi32>
      %eq3A_71 = arith.cmpi eq, %iota3A, %eq3A_70 : vector<16xi32>
      %broadcast_in_dim3A = arith.constant 0.000000e+00 : f32
      %broadcast_in_dim3A_72 = vector.broadcast %broadcast_in_dim3A : f32 to vector<16xf32>
      %scan3A_73 = arith.constant 0 : i32
      %scan3A_74 = arith.constant 64 : i32
      %scan3A_75 = arith.addi %scan3A_73, %scan3A_74 : i32
      %scan3A_76 = arith.constant 2 : i32
      scf.for %scan3A_78 = %scan3A_73 to %scan3A_75 step %scan3A_76  : i32 {
        %mul3A_79 = arith.constant 4 : i32
        %mul3A_80 = arith.muli %scan3A_78, %mul3A_79 : i32
        %get3A = arith.index_cast %scan3A_78 : i32 to index
        %get3A_81 = arith.constant 0 : index
        %get3A_82 = tpu.vector_load %arg15[%get3A, %get3A_81] {strides = array<i32>} : memref<64x128xf32, #tpu.memory_space<vmem>>, vector<16xf32>,
        %get3A_83 = arith.index_cast %scan3A_78 : i32 to index
        %get3A_84 = arith.constant 0 : index
        %get3A_85 = tpu.vector_load %arg16[%get3A_83, %get3A_84] {strides = array<i32>} : memref<64x128xf32, #tpu.memory_space<vmem>>, vector<16xf32>,
        %mul3A_86 = arith.mulf %get3A_82, %get3A_85 : vector<16xf32>
        %add3A_87 = arith.addf %broadcast_in_dim3A_72, %mul3A_86 : vector<16xf32>
        %add3A_88 = arith.constant 0 : i32
        %add3A_89 = arith.addi %mul3A_80, %add3A_88 : i32
        %get3A_90 = arith.index_cast %add3A_89 : i32 to index
        %get3A_91 = arith.constant 0 : index
        %get3A_92 = tpu.vector_load %arg17[%get3A_90, %get3A_91] {strides = array<i32>} : memref<256x128xf32, #tpu.memory_space<vmem>>, vector<16xf32>,
        %mul3A_93 = arith.mulf %get3A_82, %get3A_92 : vector<16xf32>
        %add3A_94 = arith.addf %broadcast_in_dim3A_72, %mul3A_93 : vector<16xf32>
        %add3A_95 = arith.constant 1 : i32
        %add3A_96 = arith.addi %mul3A_80, %add3A_95 : i32
        %get3A_97 = arith.index_cast %add3A_96 : i32 to index
        %get3A_98 = arith.constant 0 : index
        %get3A_99 = tpu.vector_load %arg17[%get3A_97, %get3A_98] {strides = array<i32>} : memref<256x128xf32, #tpu.memory_space<vmem>>, vector<16xf32>,
        %mul3A_100 = arith.mulf %get3A_82, %get3A_99 : vector<16xf32>
        %add3A_101 = arith.addf %broadcast_in_dim3A_72, %mul3A_100 : vector<16xf32>
        %add3A_102 = arith.constant 2 : i32
        %add3A_103 = arith.addi %mul3A_80, %add3A_102 : i32
        %get3A_104 = arith.index_cast %add3A_103 : i32 to index
        %get3A_105 = arith.constant 0 : index
        %get3A_106 = tpu.vector_load %arg17[%get3A_104, %get3A_105] {strides = array<i32>} : memref<256x128xf32, #tpu.memory_space<vmem>>, vector<16xf32>,
        %mul3A_107 = arith.mulf %get3A_82, %get3A_106 : vector<16xf32>
        %add3A_108 = arith.addf %broadcast_in_dim3A_72, %mul3A_107 : vector<16xf32>
        %add3A_109 = arith.constant 3 : i32
        %add3A_110 = arith.addi %mul3A_80, %add3A_109 : i32
        %get3A_111 = arith.index_cast %add3A_110 : i32 to index
        %get3A_112 = arith.constant 0 : index
        %get3A_113 = tpu.vector_load %arg17[%get3A_111, %get3A_112] {strides = array<i32>} : memref<256x128xf32, #tpu.memory_space<vmem>>, vector<16xf32>,
        %mul3A_114 = arith.mulf %get3A_82, %get3A_113 : vector<16xf32>
        %add3A_115 = arith.addf %broadcast_in_dim3A_72, %mul3A_114 : vector<16xf32>
        %get3A_116 = arith.index_cast %scan3A_78 : i32 to index
        %get3A_117 = arith.constant 16 : index
        %get3A_118 = tpu.vector_load %arg15[%get3A_116, %get3A_117] {strides = array<i32>} : memref<64x128xf32, #tpu.memory_space<vmem>>, vector<16xf32>,
        %get3A_119 = arith.index_cast %scan3A_78 : i32 to index
        %get3A_120 = arith.constant 16 : index
        %get3A_121 = tpu.vector_load %arg16[%get3A_119, %get3A_120] {strides = array<i32>} : memref<64x128xf32, #tpu.memory_space<vmem>>, vector<16xf32>,
        %mul3A_122 = arith.mulf %get3A_118, %get3A_121 : vector<16xf32>
        %add3A_123 = arith.addf %add3A_87, %mul3A_122 : vector<16xf32>
        %add3A_124 = arith.constant 0 : i32
        %add3A_125 = arith.addi %mul3A_80, %add3A_124 : i32
        %get3A_126 = arith.index_cast %add3A_125 : i32 to index
        %get3A_127 = arith.constant 16 : index
        %get3A_128 = tpu.vector_load %arg17[%get3A_126, %get3A_127] {strides = array<i32>} : memref<256x128xf32, #tpu.memory_space<vmem>>, vector<16xf32>,
        %mul3A_129 = arith.mulf %get3A_118, %get3A_128 : vector<16xf32>
        %add3A_130 = arith.addf %add3A_94, %mul3A_129 : vector<16xf32>
        %add3A_131 = arith.constant 1 : i32
        %add3A_132 = arith.addi %mul3A_80, %add3A_131 : i32
        %get3A_133 = arith.index_cast %add3A_132 : i32 to index
        %get3A_134 = arith.constant 16 : index
        %get3A_135 = tpu.vector_load %arg17[%get3A_133, %get3A_134] {strides = array<i32>} : memref<256x128xf32, #tpu.memory_space<vmem>>, vector<16xf32>,
        %mul3A_136 = arith.mulf %get3A_118, %get3A_135 : vector<16xf32>
        %add3A_137 = arith.addf %add3A_101, %mul3A_136 : vector<16xf32>
        %add3A_138 = arith.constant 2 : i32
        %add3A_139 = arith.addi %mul3A_80, %add3A_138 : i32
        %get3A_140 = arith.index_cast %add3A_139 : i32 to index
        %get3A_141 = arith.constant 16 : index
        %get3A_142 = tpu.vector_load %arg17[%get3A_140, %get3A_141] {strides = array<i32>} : memref<256x128xf32, #tpu.memory_space<vmem>>, vector<16xf32>,
        %mul3A_143 = arith.mulf %get3A_118, %get3A_142 : vector<16xf32>
        %add3A_144 = arith.addf %add3A_108, %mul3A_143 : vector<16xf32>
        %add3A_145 = arith.constant 3 : i32
        %add3A_146 = arith.addi %mul3A_80, %add3A_145 : i32
        %get3A_147 = arith.index_cast %add3A_146 : i32 to index
        %get3A_148 = arith.constant 16 : index
        %get3A_149 = tpu.vector_load %arg17[%get3A_147, %get3A_148] {strides = array<i32>} : memref<256x128xf32, #tpu.memory_space<vmem>>, vector<16xf32>,
        %mul3A_150 = arith.mulf %get3A_118, %get3A_149 : vector<16xf32>
        %add3A_151 = arith.addf %add3A_115, %mul3A_150 : vector<16xf32>
        %get3A_152 = arith.index_cast %scan3A_78 : i32 to index
        %get3A_153 = arith.constant 32 : index
        %get3A_154 = tpu.vector_load %arg15[%get3A_152, %get3A_153] {strides = array<i32>} : memref<64x128xf32, #tpu.memory_space<vmem>>, vector<16xf32>,
        %get3A_155 = arith.index_cast %scan3A_78 : i32 to index
        %get3A_156 = arith.constant 32 : index
        %get3A_157 = tpu.vector_load %arg16[%get3A_155, %get3A_156] {strides = array<i32>} : memref<64x128xf32, #tpu.memory_space<vmem>>, vector<16xf32>,
        %mul3A_158 = arith.mulf %get3A_154, %get3A_157 : vector<16xf32>
        %add3A_159 = arith.addf %add3A_123, %mul3A_158 : vector<16xf32>
        %add3A_160 = arith.constant 0 : i32
        %add3A_161 = arith.addi %mul3A_80, %add3A_160 : i32
        %get3A_162 = arith.index_cast %add3A_161 : i32 to index
        %get3A_163 = arith.constant 32 : index
        %get3A_164 = tpu.vector_load %arg17[%get3A_162, %get3A_163] {strides = array<i32>} : memref<256x128xf32, #tpu.memory_space<vmem>>, vector<16xf32>,
        %mul3A_165 = arith.mulf %get3A_154, %get3A_164 : vector<16xf32>
        %add3A_166 = arith.addf %add3A_130, %mul3A_165 : vector<16xf32>
        %add3A_167 = arith.constant 1 : i32
        %add3A_168 = arith.addi %mul3A_80, %add3A_167 : i32
        %get3A_169 = arith.index_cast %add3A_168 : i32 to index
        %get3A_170 = arith.constant 32 : index
        %get3A_171 = tpu.vector_load %arg17[%get3A_169, %get3A_170] {strides = array<i32>} : memref<256x128xf32, #tpu.memory_space<vmem>>, vector<16xf32>,
        %mul3A_172 = arith.mulf %get3A_154, %get3A_171 : vector<16xf32>
        %add3A_173 = arith.addf %add3A_137, %mul3A_172 : vector<16xf32>
        %add3A_174 = arith.constant 2 : i32
        %add3A_175 = arith.addi %mul3A_80, %add3A_174 : i32
        %get3A_176 = arith.index_cast %add3A_175 : i32 to index
        %get3A_177 = arith.constant 32 : index
        %get3A_178 = tpu.vector_load %arg17[%get3A_176, %get3A_177] {strides = array<i32>} : memref<256x128xf32, #tpu.memory_space<vmem>>, vector<16xf32>,
        %mul3A_179 = arith.mulf %get3A_154, %get3A_178 : vector<16xf32>
        %add3A_180 = arith.addf %add3A_144, %mul3A_179 : vector<16xf32>
        %add3A_181 = arith.constant 3 : i32
        %add3A_182 = arith.addi %mul3A_80, %add3A_181 : i32
        %get3A_183 = arith.index_cast %add3A_182 : i32 to index
        %get3A_184 = arith.constant 32 : index
        %get3A_185 = tpu.vector_load %arg17[%get3A_183, %get3A_184] {strides = array<i32>} : memref<256x128xf32, #tpu.memory_space<vmem>>, vector<16xf32>,
        %mul3A_186 = arith.mulf %get3A_154, %get3A_185 : vector<16xf32>
        %add3A_187 = arith.addf %add3A_151, %mul3A_186 : vector<16xf32>
        %get3A_188 = arith.index_cast %scan3A_78 : i32 to index
        %get3A_189 = arith.constant 48 : index
        %get3A_190 = tpu.vector_load %arg15[%get3A_188, %get3A_189] {strides = array<i32>} : memref<64x128xf32, #tpu.memory_space<vmem>>, vector<16xf32>,
        %get3A_191 = arith.index_cast %scan3A_78 : i32 to index
        %get3A_192 = arith.constant 48 : index
        %get3A_193 = tpu.vector_load %arg16[%get3A_191, %get3A_192] {strides = array<i32>} : memref<64x128xf32, #tpu.memory_space<vmem>>, vector<16xf32>,
        %mul3A_194 = arith.mulf %get3A_190, %get3A_193 : vector<16xf32>
        %add3A_195 = arith.addf %add3A_159, %mul3A_194 : vector<16xf32>
        %add3A_196 = arith.constant 0 : i32
        %add3A_197 = arith.addi %mul3A_80, %add3A_196 : i32
        %get3A_198 = arith.index_cast %add3A_197 : i32 to index
        %get3A_199 = arith.constant 48 : index
        %get3A_200 = tpu.vector_load %arg17[%get3A_198, %get3A_199] {strides = array<i32>} : memref<256x128xf32, #tpu.memory_space<vmem>>, vector<16xf32>,
        %mul3A_201 = arith.mulf %get3A_190, %get3A_200 : vector<16xf32>
        %add3A_202 = arith.addf %add3A_166, %mul3A_201 : vector<16xf32>
        %add3A_203 = arith.constant 1 : i32
        %add3A_204 = arith.addi %mul3A_80, %add3A_203 : i32
        %get3A_205 = arith.index_cast %add3A_204 : i32 to index
        %get3A_206 = arith.constant 48 : index
        %get3A_207 = tpu.vector_load %arg17[%get3A_205, %get3A_206] {strides = array<i32>} : memref<256x128xf32, #tpu.memory_space<vmem>>, vector<16xf32>,
        %mul3A_208 = arith.mulf %get3A_190, %get3A_207 : vector<16xf32>
        %add3A_209 = arith.addf %add3A_173, %mul3A_208 : vector<16xf32>
        %add3A_210 = arith.constant 2 : i32
        %add3A_211 = arith.addi %mul3A_80, %add3A_210 : i32
        %get3A_212 = arith.index_cast %add3A_211 : i32 to index
        %get3A_213 = arith.constant 48 : index
        %get3A_214 = tpu.vector_load %arg17[%get3A_212, %get3A_213] {strides = array<i32>} : memref<256x128xf32, #tpu.memory_space<vmem>>, vector<16xf32>,
        %mul3A_215 = arith.mulf %get3A_190, %get3A_214 : vector<16xf32>
        %add3A_216 = arith.addf %add3A_180, %mul3A_215 : vector<16xf32>
        %add3A_217 = arith.constant 3 : i32
        %add3A_218 = arith.addi %mul3A_80, %add3A_217 : i32
        %get3A_219 = arith.index_cast %add3A_218 : i32 to index
        %get3A_220 = arith.constant 48 : index
        %get3A_221 = tpu.vector_load %arg17[%get3A_219, %get3A_220] {strides = array<i32>} : memref<256x128xf32, #tpu.memory_space<vmem>>, vector<16xf32>,
        %mul3A_222 = arith.mulf %get3A_190, %get3A_221 : vector<16xf32>
        %add3A_223 = arith.addf %add3A_187, %mul3A_222 : vector<16xf32>
        %get3A_224 = arith.index_cast %scan3A_78 : i32 to index
        %get3A_225 = arith.constant 64 : index
        %get3A_226 = tpu.vector_load %arg15[%get3A_224, %get3A_225] {strides = array<i32>} : memref<64x128xf32, #tpu.memory_space<vmem>>, vector<16xf32>,
        %get3A_227 = arith.index_cast %scan3A_78 : i32 to index
        %get3A_228 = arith.constant 64 : index
        %get3A_229 = tpu.vector_load %arg16[%get3A_227, %get3A_228] {strides = array<i32>} : memref<64x128xf32, #tpu.memory_space<vmem>>, vector<16xf32>,
        %mul3A_230 = arith.mulf %get3A_226, %get3A_229 : vector<16xf32>
        %add3A_231 = arith.addf %add3A_195, %mul3A_230 : vector<16xf32>
        %add3A_232 = arith.constant 0 : i32
        %add3A_233 = arith.addi %mul3A_80, %add3A_232 : i32
        %get3A_234 = arith.index_cast %add3A_233 : i32 to index
        %get3A_235 = arith.constant 64 : index
        %get3A_236 = tpu.vector_load %arg17[%get3A_234, %get3A_235] {strides = array<i32>} : memref<256x128xf32, #tpu.memory_space<vmem>>, vector<16xf32>,
        %mul3A_237 = arith.mulf %get3A_226, %get3A_236 : vector<16xf32>
        %add3A_238 = arith.addf %add3A_202, %mul3A_237 : vector<16xf32>
        %add3A_239 = arith.constant 1 : i32
        %add3A_240 = arith.addi %mul3A_80, %add3A_239 : i32
        %get3A_241 = arith.index_cast %add3A_240 : i32 to index
        %get3A_242 = arith.constant 64 : index
        %get3A_243 = tpu.vector_load %arg17[%get3A_241, %get3A_242] {strides = array<i32>} : memref<256x128xf32, #tpu.memory_space<vmem>>, vector<16xf32>,
        %mul3A_244 = arith.mulf %get3A_226, %get3A_243 : vector<16xf32>
        %add3A_245 = arith.addf %add3A_209, %mul3A_244 : vector<16xf32>
        %add3A_246 = arith.constant 2 : i32
        %add3A_247 = arith.addi %mul3A_80, %add3A_246 : i32
        %get3A_248 = arith.index_cast %add3A_247 : i32 to index
        %get3A_249 = arith.constant 64 : index
        %get3A_250 = tpu.vector_load %arg17[%get3A_248, %get3A_249] {strides = array<i32>} : memref<256x128xf32, #tpu.memory_space<vmem>>, vector<16xf32>,
        %mul3A_251 = arith.mulf %get3A_226, %get3A_250 : vector<16xf32>
        %add3A_252 = arith.addf %add3A_216, %mul3A_251 : vector<16xf32>
        %add3A_253 = arith.constant 3 : i32
        %add3A_254 = arith.addi %mul3A_80, %add3A_253 : i32
        %get3A_255 = arith.index_cast %add3A_254 : i32 to index
        %get3A_256 = arith.constant 64 : index
        %get3A_257 = tpu.vector_load %arg17[%get3A_255, %get3A_256] {strides = array<i32>} : memref<256x128xf32, #tpu.memory_space<vmem>>, vector<16xf32>,
        %mul3A_258 = arith.mulf %get3A_226, %get3A_257 : vector<16xf32>
        %add3A_259 = arith.addf %add3A_223, %mul3A_258 : vector<16xf32>
        %get3A_260 = arith.index_cast %scan3A_78 : i32 to index
        %get3A_261 = arith.constant 80 : index
        %get3A_262 = tpu.vector_load %arg15[%get3A_260, %get3A_261] {strides = array<i32>} : memref<64x128xf32, #tpu.memory_space<vmem>>, vector<16xf32>,
        %get3A_263 = arith.index_cast %scan3A_78 : i32 to index
        %get3A_264 = arith.constant 80 : index
        %get3A_265 = tpu.vector_load %arg16[%get3A_263, %get3A_264] {strides = array<i32>} : memref<64x128xf32, #tpu.memory_space<vmem>>, vector<16xf32>,
        %mul3A_266 = arith.mulf %get3A_262, %get3A_265 : vector<16xf32>
        %add3A_267 = arith.addf %add3A_231, %mul3A_266 : vector<16xf32>
        %add3A_268 = arith.constant 0 : i32
        %add3A_269 = arith.addi %mul3A_80, %add3A_268 : i32
        %get3A_270 = arith.index_cast %add3A_269 : i32 to index
        %get3A_271 = arith.constant 80 : index
        %get3A_272 = tpu.vector_load %arg17[%get3A_270, %get3A_271] {strides = array<i32>} : memref<256x128xf32, #tpu.memory_space<vmem>>, vector<16xf32>,
        %mul3A_273 = arith.mulf %get3A_262, %get3A_272 : vector<16xf32>
        %add3A_274 = arith.addf %add3A_238, %mul3A_273 : vector<16xf32>
        %add3A_275 = arith.constant 1 : i32
        %add3A_276 = arith.addi %mul3A_80, %add3A_275 : i32
        %get3A_277 = arith.index_cast %add3A_276 : i32 to index
        %get3A_278 = arith.constant 80 : index
        %get3A_279 = tpu.vector_load %arg17[%get3A_277, %get3A_278] {strides = array<i32>} : memref<256x128xf32, #tpu.memory_space<vmem>>, vector<16xf32>,
        %mul3A_280 = arith.mulf %get3A_262, %get3A_279 : vector<16xf32>
        %add3A_281 = arith.addf %add3A_245, %mul3A_280 : vector<16xf32>
        %add3A_282 = arith.constant 2 : i32
        %add3A_283 = arith.addi %mul3A_80, %add3A_282 : i32
        %get3A_284 = arith.index_cast %add3A_283 : i32 to index
        %get3A_285 = arith.constant 80 : index
        %get3A_286 = tpu.vector_load %arg17[%get3A_284, %get3A_285] {strides = array<i32>} : memref<256x128xf32, #tpu.memory_space<vmem>>, vector<16xf32>,
        %mul3A_287 = arith.mulf %get3A_262, %get3A_286 : vector<16xf32>
        %add3A_288 = arith.addf %add3A_252, %mul3A_287 : vector<16xf32>
        %add3A_289 = arith.constant 3 : i32
        %add3A_290 = arith.addi %mul3A_80, %add3A_289 : i32
        %get3A_291 = arith.index_cast %add3A_290 : i32 to index
        %get3A_292 = arith.constant 80 : index
        %get3A_293 = tpu.vector_load %arg17[%get3A_291, %get3A_292] {strides = array<i32>} : memref<256x128xf32, #tpu.memory_space<vmem>>, vector<16xf32>,
        %mul3A_294 = arith.mulf %get3A_262, %get3A_293 : vector<16xf32>
        %add3A_295 = arith.addf %add3A_259, %mul3A_294 : vector<16xf32>
        %get3A_296 = arith.index_cast %scan3A_78 : i32 to index
        %get3A_297 = arith.constant 96 : index
        %get3A_298 = tpu.vector_load %arg15[%get3A_296, %get3A_297] {strides = array<i32>} : memref<64x128xf32, #tpu.memory_space<vmem>>, vector<16xf32>,
        %get3A_299 = arith.index_cast %scan3A_78 : i32 to index
        %get3A_300 = arith.constant 96 : index
        %get3A_301 = tpu.vector_load %arg16[%get3A_299, %get3A_300] {strides = array<i32>} : memref<64x128xf32, #tpu.memory_space<vmem>>, vector<16xf32>,
        %mul3A_302 = arith.mulf %get3A_298, %get3A_301 : vector<16xf32>
        %add3A_303 = arith.addf %add3A_267, %mul3A_302 : vector<16xf32>
        %add3A_304 = arith.constant 0 : i32
        %add3A_305 = arith.addi %mul3A_80, %add3A_304 : i32
        %get3A_306 = arith.index_cast %add3A_305 : i32 to index
        %get3A_307 = arith.constant 96 : index
        %get3A_308 = tpu.vector_load %arg17[%get3A_306, %get3A_307] {strides = array<i32>} : memref<256x128xf32, #tpu.memory_space<vmem>>, vector<16xf32>,
        %mul3A_309 = arith.mulf %get3A_298, %get3A_308 : vector<16xf32>
        %add3A_310 = arith.addf %add3A_274, %mul3A_309 : vector<16xf32>
        %add3A_311 = arith.constant 1 : i32
        %add3A_312 = arith.addi %mul3A_80, %add3A_311 : i32
        %get3A_313 = arith.index_cast %add3A_312 : i32 to index
        %get3A_314 = arith.constant 96 : index
        %get3A_315 = tpu.vector_load %arg17[%get3A_313, %get3A_314] {strides = array<i32>} : memref<256x128xf32, #tpu.memory_space<vmem>>, vector<16xf32>,
        %mul3A_316 = arith.mulf %get3A_298, %get3A_315 : vector<16xf32>
        %add3A_317 = arith.addf %add3A_281, %mul3A_316 : vector<16xf32>
        %add3A_318 = arith.constant 2 : i32
        %add3A_319 = arith.addi %mul3A_80, %add3A_318 : i32
        %get3A_320 = arith.index_cast %add3A_319 : i32 to index
        %get3A_321 = arith.constant 96 : index
        %get3A_322 = tpu.vector_load %arg17[%get3A_320, %get3A_321] {strides = array<i32>} : memref<256x128xf32, #tpu.memory_space<vmem>>, vector<16xf32>,
        %mul3A_323 = arith.mulf %get3A_298, %get3A_322 : vector<16xf32>
        %add3A_324 = arith.addf %add3A_288, %mul3A_323 : vector<16xf32>
        %add3A_325 = arith.constant 3 : i32
        %add3A_326 = arith.addi %mul3A_80, %add3A_325 : i32
        %get3A_327 = arith.index_cast %add3A_326 : i32 to index
        %get3A_328 = arith.constant 96 : index
        %get3A_329 = tpu.vector_load %arg17[%get3A_327, %get3A_328] {strides = array<i32>} : memref<256x128xf32, #tpu.memory_space<vmem>>, vector<16xf32>,
        %mul3A_330 = arith.mulf %get3A_298, %get3A_329 : vector<16xf32>
        %add3A_331 = arith.addf %add3A_295, %mul3A_330 : vector<16xf32>
        %get3A_332 = arith.index_cast %scan3A_78 : i32 to index
        %get3A_333 = arith.constant 112 : index
        %get3A_334 = tpu.vector_load %arg15[%get3A_332, %get3A_333] {strides = array<i32>} : memref<64x128xf32, #tpu.memory_space<vmem>>, vector<16xf32>,
        %get3A_335 = arith.index_cast %scan3A_78 : i32 to index
        %get3A_336 = arith.constant 112 : index
        %get3A_337 = tpu.vector_load %arg16[%get3A_335, %get3A_336] {strides = array<i32>} : memref<64x128xf32, #tpu.memory_space<vmem>>, vector<16xf32>,
        %mul3A_338 = arith.mulf %get3A_334, %get3A_337 : vector<16xf32>
        %add3A_339 = arith.addf %add3A_303, %mul3A_338 : vector<16xf32>
        %add3A_340 = arith.constant 0 : i32
        %add3A_341 = arith.addi %mul3A_80, %add3A_340 : i32
        %get3A_342 = arith.index_cast %add3A_341 : i32 to index
        %get3A_343 = arith.constant 112 : index
        %get3A_344 = tpu.vector_load %arg17[%get3A_342, %get3A_343] {strides = array<i32>} : memref<256x128xf32, #tpu.memory_space<vmem>>, vector<16xf32>,
        %mul3A_345 = arith.mulf %get3A_334, %get3A_344 : vector<16xf32>
        %add3A_346 = arith.addf %add3A_310, %mul3A_345 : vector<16xf32>
        %add3A_347 = arith.constant 1 : i32
        %add3A_348 = arith.addi %mul3A_80, %add3A_347 : i32
        %get3A_349 = arith.index_cast %add3A_348 : i32 to index
        %get3A_350 = arith.constant 112 : index
        %get3A_351 = tpu.vector_load %arg17[%get3A_349, %get3A_350] {strides = array<i32>} : memref<256x128xf32, #tpu.memory_space<vmem>>, vector<16xf32>,
        %mul3A_352 = arith.mulf %get3A_334, %get3A_351 : vector<16xf32>
        %add3A_353 = arith.addf %add3A_317, %mul3A_352 : vector<16xf32>
        %add3A_354 = arith.constant 2 : i32
        %add3A_355 = arith.addi %mul3A_80, %add3A_354 : i32
        %get3A_356 = arith.index_cast %add3A_355 : i32 to index
        %get3A_357 = arith.constant 112 : index
        %get3A_358 = tpu.vector_load %arg17[%get3A_356, %get3A_357] {strides = array<i32>} : memref<256x128xf32, #tpu.memory_space<vmem>>, vector<16xf32>,
        %mul3A_359 = arith.mulf %get3A_334, %get3A_358 : vector<16xf32>
        %add3A_360 = arith.addf %add3A_324, %mul3A_359 : vector<16xf32>
        %add3A_361 = arith.constant 3 : i32
        %add3A_362 = arith.addi %mul3A_80, %add3A_361 : i32
        %get3A_363 = arith.index_cast %add3A_362 : i32 to index
        %get3A_364 = arith.constant 112 : index
        %get3A_365 = tpu.vector_load %arg17[%get3A_363, %get3A_364] {strides = array<i32>} : memref<256x128xf32, #tpu.memory_space<vmem>>, vector<16xf32>,
        %mul3A_366 = arith.mulf %get3A_334, %get3A_365 : vector<16xf32>
        %add3A_367 = arith.addf %add3A_331, %mul3A_366 : vector<16xf32>
        %add3A_368 = arith.addi %mul3A_12, %scan3A_78 : i32
        %broadcast_in_dim3A_369 = vector.broadcast %add3A_368 : i32 to vector<16xi32>
        %cumsum3A = arith.constant true
        %cumsum3A_370 = vector.broadcast %cumsum3A : i1 to vector<16xi1>
        %cumsum3A_371 = tpu.scan <sum>, %add3A_339 masked %cumsum3A_370 : vector<16xf32>, vector<16xi1> -> vector<16xf32>
        %rev3A = arith.constant 15 : i32
        %rev3A_372 = vector.broadcast %rev3A : i32 to vector<16xi32>
        %rev3A_373 = tpu.iota {dimensions = array<i32: 0>} : vector<16xi32>
        %rev3A_374 = arith.subi %rev3A_372, %rev3A_373 : vector<16xi32>
        %rev3A_375 = tpu.dynamic_gather %cumsum3A_371[%rev3A_374] in [0] : vector<16xf32>, vector<16xi32> -> vector<16xf32>
        tpu.vector_store_idx %arg18[%broadcast_in_dim3A_369], %rev3A_375 masked %eq3A_71 : memref<5056xf32, #tpu.memory_space<vmem>>[vector<16xi32>], vector<16xf32>, vector<16xi1>
        %cumsum3A_376 = arith.constant true
        %cumsum3A_377 = vector.broadcast %cumsum3A_376 : i1 to vector<16xi1>
        %cumsum3A_378 = tpu.scan <sum>, %add3A_346 masked %cumsum3A_377 : vector<16xf32>, vector<16xi1> -> vector<16xf32>
        %rev3A_379 = arith.constant 15 : i32
        %rev3A_380 = vector.broadcast %rev3A_379 : i32 to vector<16xi32>
        %rev3A_381 = tpu.iota {dimensions = array<i32: 0>} : vector<16xi32>
        %rev3A_382 = arith.subi %rev3A_380, %rev3A_381 : vector<16xi32>
        %rev3A_383 = tpu.dynamic_gather %cumsum3A_378[%rev3A_382] in [0] : vector<16xf32>, vector<16xi32> -> vector<16xf32>
        tpu.vector_store_idx %arg19[%broadcast_in_dim3A_369], %rev3A_383 masked %eq3A_71 : memref<5056xf32, #tpu.memory_space<vmem>>[vector<16xi32>], vector<16xf32>, vector<16xi1>
        %cumsum3A_384 = arith.constant true
        %cumsum3A_385 = vector.broadcast %cumsum3A_384 : i1 to vector<16xi1>
        %cumsum3A_386 = tpu.scan <sum>, %add3A_353 masked %cumsum3A_385 : vector<16xf32>, vector<16xi1> -> vector<16xf32>
        %rev3A_387 = arith.constant 15 : i32
        %rev3A_388 = vector.broadcast %rev3A_387 : i32 to vector<16xi32>
        %rev3A_389 = tpu.iota {dimensions = array<i32: 0>} : vector<16xi32>
        %rev3A_390 = arith.subi %rev3A_388, %rev3A_389 : vector<16xi32>
        %rev3A_391 = tpu.dynamic_gather %cumsum3A_386[%rev3A_390] in [0] : vector<16xf32>, vector<16xi32> -> vector<16xf32>
        tpu.vector_store_idx %arg20[%broadcast_in_dim3A_369], %rev3A_391 masked %eq3A_71 : memref<5056xf32, #tpu.memory_space<vmem>>[vector<16xi32>], vector<16xf32>, vector<16xi1>
        %cumsum3A_392 = arith.constant true
        %cumsum3A_393 = vector.broadcast %cumsum3A_392 : i1 to vector<16xi1>
        %cumsum3A_394 = tpu.scan <sum>, %add3A_360 masked %cumsum3A_393 : vector<16xf32>, vector<16xi1> -> vector<16xf32>
        %rev3A_395 = arith.constant 15 : i32
        %rev3A_396 = vector.broadcast %rev3A_395 : i32 to vector<16xi32>
        %rev3A_397 = tpu.iota {dimensions = array<i32: 0>} : vector<16xi32>
        %rev3A_398 = arith.subi %rev3A_396, %rev3A_397 : vector<16xi32>
        %rev3A_399 = tpu.dynamic_gather %cumsum3A_394[%rev3A_398] in [0] : vector<16xf32>, vector<16xi32> -> vector<16xf32>
        tpu.vector_store_idx %arg21[%broadcast_in_dim3A_369], %rev3A_399 masked %eq3A_71 : memref<5056xf32, #tpu.memory_space<vmem>>[vector<16xi32>], vector<16xf32>, vector<16xi1>
        %cumsum3A_400 = arith.constant true
        %cumsum3A_401 = vector.broadcast %cumsum3A_400 : i1 to vector<16xi1>
        %cumsum3A_402 = tpu.scan <sum>, %add3A_367 masked %cumsum3A_401 : vector<16xf32>, vector<16xi1> -> vector<16xf32>
        %rev3A_403 = arith.constant 15 : i32
        %rev3A_404 = vector.broadcast %rev3A_403 : i32 to vector<16xi32>
        %rev3A_405 = tpu.iota {dimensions = array<i32: 0>} : vector<16xi32>
        %rev3A_406 = arith.subi %rev3A_404, %rev3A_405 : vector<16xi32>
        %rev3A_407 = tpu.dynamic_gather %cumsum3A_402[%rev3A_406] in [0] : vector<16xf32>, vector<16xi32> -> vector<16xf32>
        tpu.vector_store_idx %arg22[%broadcast_in_dim3A_369], %rev3A_407 masked %eq3A_71 : memref<5056xf32, #tpu.memory_space<vmem>>[vector<16xi32>], vector<16xf32>, vector<16xi1>
        %scan3A_408 = arith.constant 1 : i32
        %scan3A_409 = arith.addi %scan3A_78, %scan3A_408 : i32
        %mul3A_410 = arith.constant 4 : i32
        %mul3A_411 = arith.muli %scan3A_409, %mul3A_410 : i32
        %get3A_412 = arith.index_cast %scan3A_409 : i32 to index
        %get3A_413 = arith.constant 0 : index
        %get3A_414 = tpu.vector_load %arg15[%get3A_412, %get3A_413] {strides = array<i32>} : memref<64x128xf32, #tpu.memory_space<vmem>>, vector<16xf32>,
        %get3A_415 = arith.index_cast %scan3A_409 : i32 to index
        %get3A_416 = arith.constant 0 : index
        %get3A_417 = tpu.vector_load %arg16[%get3A_415, %get3A_416] {strides = array<i32>} : memref<64x128xf32, #tpu.memory_space<vmem>>, vector<16xf32>,
        %mul3A_418 = arith.mulf %get3A_414, %get3A_417 : vector<16xf32>
        %add3A_419 = arith.addf %broadcast_in_dim3A_72, %mul3A_418 : vector<16xf32>
        %add3A_420 = arith.constant 0 : i32
        %add3A_421 = arith.addi %mul3A_411, %add3A_420 : i32
        %get3A_422 = arith.index_cast %add3A_421 : i32 to index
        %get3A_423 = arith.constant 0 : index
        %get3A_424 = tpu.vector_load %arg17[%get3A_422, %get3A_423] {strides = array<i32>} : memref<256x128xf32, #tpu.memory_space<vmem>>, vector<16xf32>,
        %mul3A_425 = arith.mulf %get3A_414, %get3A_424 : vector<16xf32>
        %add3A_426 = arith.addf %broadcast_in_dim3A_72, %mul3A_425 : vector<16xf32>
        %add3A_427 = arith.constant 1 : i32
        %add3A_428 = arith.addi %mul3A_411, %add3A_427 : i32
        %get3A_429 = arith.index_cast %add3A_428 : i32 to index
        %get3A_430 = arith.constant 0 : index
        %get3A_431 = tpu.vector_load %arg17[%get3A_429, %get3A_430] {strides = array<i32>} : memref<256x128xf32, #tpu.memory_space<vmem>>, vector<16xf32>,
        %mul3A_432 = arith.mulf %get3A_414, %get3A_431 : vector<16xf32>
        %add3A_433 = arith.addf %broadcast_in_dim3A_72, %mul3A_432 : vector<16xf32>
        %add3A_434 = arith.constant 2 : i32
        %add3A_435 = arith.addi %mul3A_411, %add3A_434 : i32
        %get3A_436 = arith.index_cast %add3A_435 : i32 to index
        %get3A_437 = arith.constant 0 : index
        %get3A_438 = tpu.vector_load %arg17[%get3A_436, %get3A_437] {strides = array<i32>} : memref<256x128xf32, #tpu.memory_space<vmem>>, vector<16xf32>,
        %mul3A_439 = arith.mulf %get3A_414, %get3A_438 : vector<16xf32>
        %add3A_440 = arith.addf %broadcast_in_dim3A_72, %mul3A_439 : vector<16xf32>
        %add3A_441 = arith.constant 3 : i32
        %add3A_442 = arith.addi %mul3A_411, %add3A_441 : i32
        %get3A_443 = arith.index_cast %add3A_442 : i32 to index
        %get3A_444 = arith.constant 0 : index
        %get3A_445 = tpu.vector_load %arg17[%get3A_443, %get3A_444] {strides = array<i32>} : memref<256x128xf32, #tpu.memory_space<vmem>>, vector<16xf32>,
        %mul3A_446 = arith.mulf %get3A_414, %get3A_445 : vector<16xf32>
        %add3A_447 = arith.addf %broadcast_in_dim3A_72, %mul3A_446 : vector<16xf32>
        %get3A_448 = arith.index_cast %scan3A_409 : i32 to index
        %get3A_449 = arith.constant 16 : index
        %get3A_450 = tpu.vector_load %arg15[%get3A_448, %get3A_449] {strides = array<i32>} : memref<64x128xf32, #tpu.memory_space<vmem>>, vector<16xf32>,
        %get3A_451 = arith.index_cast %scan3A_409 : i32 to index
        %get3A_452 = arith.constant 16 : index
        %get3A_453 = tpu.vector_load %arg16[%get3A_451, %get3A_452] {strides = array<i32>} : memref<64x128xf32, #tpu.memory_space<vmem>>, vector<16xf32>,
        %mul3A_454 = arith.mulf %get3A_450, %get3A_453 : vector<16xf32>
        %add3A_455 = arith.addf %add3A_419, %mul3A_454 : vector<16xf32>
        %add3A_456 = arith.constant 0 : i32
        %add3A_457 = arith.addi %mul3A_411, %add3A_456 : i32
        %get3A_458 = arith.index_cast %add3A_457 : i32 to index
        %get3A_459 = arith.constant 16 : index
        %get3A_460 = tpu.vector_load %arg17[%get3A_458, %get3A_459] {strides = array<i32>} : memref<256x128xf32, #tpu.memory_space<vmem>>, vector<16xf32>,
        %mul3A_461 = arith.mulf %get3A_450, %get3A_460 : vector<16xf32>
        %add3A_462 = arith.addf %add3A_426, %mul3A_461 : vector<16xf32>
        %add3A_463 = arith.constant 1 : i32
        %add3A_464 = arith.addi %mul3A_411, %add3A_463 : i32
        %get3A_465 = arith.index_cast %add3A_464 : i32 to index
        %get3A_466 = arith.constant 16 : index
        %get3A_467 = tpu.vector_load %arg17[%get3A_465, %get3A_466] {strides = array<i32>} : memref<256x128xf32, #tpu.memory_space<vmem>>, vector<16xf32>,
        %mul3A_468 = arith.mulf %get3A_450, %get3A_467 : vector<16xf32>
        %add3A_469 = arith.addf %add3A_433, %mul3A_468 : vector<16xf32>
        %add3A_470 = arith.constant 2 : i32
        %add3A_471 = arith.addi %mul3A_411, %add3A_470 : i32
        %get3A_472 = arith.index_cast %add3A_471 : i32 to index
        %get3A_473 = arith.constant 16 : index
        %get3A_474 = tpu.vector_load %arg17[%get3A_472, %get3A_473] {strides = array<i32>} : memref<256x128xf32, #tpu.memory_space<vmem>>, vector<16xf32>,
        %mul3A_475 = arith.mulf %get3A_450, %get3A_474 : vector<16xf32>
        %add3A_476 = arith.addf %add3A_440, %mul3A_475 : vector<16xf32>
        %add3A_477 = arith.constant 3 : i32
        %add3A_478 = arith.addi %mul3A_411, %add3A_477 : i32
        %get3A_479 = arith.index_cast %add3A_478 : i32 to index
        %get3A_480 = arith.constant 16 : index
        %get3A_481 = tpu.vector_load %arg17[%get3A_479, %get3A_480] {strides = array<i32>} : memref<256x128xf32, #tpu.memory_space<vmem>>, vector<16xf32>,
        %mul3A_482 = arith.mulf %get3A_450, %get3A_481 : vector<16xf32>
        %add3A_483 = arith.addf %add3A_447, %mul3A_482 : vector<16xf32>
        %get3A_484 = arith.index_cast %scan3A_409 : i32 to index
        %get3A_485 = arith.constant 32 : index
        %get3A_486 = tpu.vector_load %arg15[%get3A_484, %get3A_485] {strides = array<i32>} : memref<64x128xf32, #tpu.memory_space<vmem>>, vector<16xf32>,
        %get3A_487 = arith.index_cast %scan3A_409 : i32 to index
        %get3A_488 = arith.constant 32 : index
        %get3A_489 = tpu.vector_load %arg16[%get3A_487, %get3A_488] {strides = array<i32>} : memref<64x128xf32, #tpu.memory_space<vmem>>, vector<16xf32>,
        %mul3A_490 = arith.mulf %get3A_486, %get3A_489 : vector<16xf32>
        %add3A_491 = arith.addf %add3A_455, %mul3A_490 : vector<16xf32>
        %add3A_492 = arith.constant 0 : i32
        %add3A_493 = arith.addi %mul3A_411, %add3A_492 : i32
        %get3A_494 = arith.index_cast %add3A_493 : i32 to index
        %get3A_495 = arith.constant 32 : index
        %get3A_496 = tpu.vector_load %arg17[%get3A_494, %get3A_495] {strides = array<i32>} : memref<256x128xf32, #tpu.memory_space<vmem>>, vector<16xf32>,
        %mul3A_497 = arith.mulf %get3A_486, %get3A_496 : vector<16xf32>
        %add3A_498 = arith.addf %add3A_462, %mul3A_497 : vector<16xf32>
        %add3A_499 = arith.constant 1 : i32
        %add3A_500 = arith.addi %mul3A_411, %add3A_499 : i32
        %get3A_501 = arith.index_cast %add3A_500 : i32 to index
        %get3A_502 = arith.constant 32 : index
        %get3A_503 = tpu.vector_load %arg17[%get3A_501, %get3A_502] {strides = array<i32>} : memref<256x128xf32, #tpu.memory_space<vmem>>, vector<16xf32>,
        %mul3A_504 = arith.mulf %get3A_486, %get3A_503 : vector<16xf32>
        %add3A_505 = arith.addf %add3A_469, %mul3A_504 : vector<16xf32>
        %add3A_506 = arith.constant 2 : i32
        %add3A_507 = arith.addi %mul3A_411, %add3A_506 : i32
        %get3A_508 = arith.index_cast %add3A_507 : i32 to index
        %get3A_509 = arith.constant 32 : index
        %get3A_510 = tpu.vector_load %arg17[%get3A_508, %get3A_509] {strides = array<i32>} : memref<256x128xf32, #tpu.memory_space<vmem>>, vector<16xf32>,
        %mul3A_511 = arith.mulf %get3A_486, %get3A_510 : vector<16xf32>
        %add3A_512 = arith.addf %add3A_476, %mul3A_511 : vector<16xf32>
        %add3A_513 = arith.constant 3 : i32
        %add3A_514 = arith.addi %mul3A_411, %add3A_513 : i32
        %get3A_515 = arith.index_cast %add3A_514 : i32 to index
        %get3A_516 = arith.constant 32 : index
        %get3A_517 = tpu.vector_load %arg17[%get3A_515, %get3A_516] {strides = array<i32>} : memref<256x128xf32, #tpu.memory_space<vmem>>, vector<16xf32>,
        %mul3A_518 = arith.mulf %get3A_486, %get3A_517 : vector<16xf32>
        %add3A_519 = arith.addf %add3A_483, %mul3A_518 : vector<16xf32>
        %get3A_520 = arith.index_cast %scan3A_409 : i32 to index
        %get3A_521 = arith.constant 48 : index
        %get3A_522 = tpu.vector_load %arg15[%get3A_520, %get3A_521] {strides = array<i32>} : memref<64x128xf32, #tpu.memory_space<vmem>>, vector<16xf32>,
        %get3A_523 = arith.index_cast %scan3A_409 : i32 to index
        %get3A_524 = arith.constant 48 : index
        %get3A_525 = tpu.vector_load %arg16[%get3A_523, %get3A_524] {strides = array<i32>} : memref<64x128xf32, #tpu.memory_space<vmem>>, vector<16xf32>,
        %mul3A_526 = arith.mulf %get3A_522, %get3A_525 : vector<16xf32>
        %add3A_527 = arith.addf %add3A_491, %mul3A_526 : vector<16xf32>
        %add3A_528 = arith.constant 0 : i32
        %add3A_529 = arith.addi %mul3A_411, %add3A_528 : i32
        %get3A_530 = arith.index_cast %add3A_529 : i32 to index
        %get3A_531 = arith.constant 48 : index
        %get3A_532 = tpu.vector_load %arg17[%get3A_530, %get3A_531] {strides = array<i32>} : memref<256x128xf32, #tpu.memory_space<vmem>>, vector<16xf32>,
        %mul3A_533 = arith.mulf %get3A_522, %get3A_532 : vector<16xf32>
        %add3A_534 = arith.addf %add3A_498, %mul3A_533 : vector<16xf32>
        %add3A_535 = arith.constant 1 : i32
        %add3A_536 = arith.addi %mul3A_411, %add3A_535 : i32
        %get3A_537 = arith.index_cast %add3A_536 : i32 to index
        %get3A_538 = arith.constant 48 : index
        %get3A_539 = tpu.vector_load %arg17[%get3A_537, %get3A_538] {strides = array<i32>} : memref<256x128xf32, #tpu.memory_space<vmem>>, vector<16xf32>,
        %mul3A_540 = arith.mulf %get3A_522, %get3A_539 : vector<16xf32>
        %add3A_541 = arith.addf %add3A_505, %mul3A_540 : vector<16xf32>
        %add3A_542 = arith.constant 2 : i32
        %add3A_543 = arith.addi %mul3A_411, %add3A_542 : i32
        %get3A_544 = arith.index_cast %add3A_543 : i32 to index
        %get3A_545 = arith.constant 48 : index
        %get3A_546 = tpu.vector_load %arg17[%get3A_544, %get3A_545] {strides = array<i32>} : memref<256x128xf32, #tpu.memory_space<vmem>>, vector<16xf32>,
        %mul3A_547 = arith.mulf %get3A_522, %get3A_546 : vector<16xf32>
        %add3A_548 = arith.addf %add3A_512, %mul3A_547 : vector<16xf32>
        %add3A_549 = arith.constant 3 : i32
        %add3A_550 = arith.addi %mul3A_411, %add3A_549 : i32
        %get3A_551 = arith.index_cast %add3A_550 : i32 to index
        %get3A_552 = arith.constant 48 : index
        %get3A_553 = tpu.vector_load %arg17[%get3A_551, %get3A_552] {strides = array<i32>} : memref<256x128xf32, #tpu.memory_space<vmem>>, vector<16xf32>,
        %mul3A_554 = arith.mulf %get3A_522, %get3A_553 : vector<16xf32>
        %add3A_555 = arith.addf %add3A_519, %mul3A_554 : vector<16xf32>
        %get3A_556 = arith.index_cast %scan3A_409 : i32 to index
        %get3A_557 = arith.constant 64 : index
        %get3A_558 = tpu.vector_load %arg15[%get3A_556, %get3A_557] {strides = array<i32>} : memref<64x128xf32, #tpu.memory_space<vmem>>, vector<16xf32>,
        %get3A_559 = arith.index_cast %scan3A_409 : i32 to index
        %get3A_560 = arith.constant 64 : index
        %get3A_561 = tpu.vector_load %arg16[%get3A_559, %get3A_560] {strides = array<i32>} : memref<64x128xf32, #tpu.memory_space<vmem>>, vector<16xf32>,
        %mul3A_562 = arith.mulf %get3A_558, %get3A_561 : vector<16xf32>
        %add3A_563 = arith.addf %add3A_527, %mul3A_562 : vector<16xf32>
        %add3A_564 = arith.constant 0 : i32
        %add3A_565 = arith.addi %mul3A_411, %add3A_564 : i32
        %get3A_566 = arith.index_cast %add3A_565 : i32 to index
        %get3A_567 = arith.constant 64 : index
        %get3A_568 = tpu.vector_load %arg17[%get3A_566, %get3A_567] {strides = array<i32>} : memref<256x128xf32, #tpu.memory_space<vmem>>, vector<16xf32>,
        %mul3A_569 = arith.mulf %get3A_558, %get3A_568 : vector<16xf32>
        %add3A_570 = arith.addf %add3A_534, %mul3A_569 : vector<16xf32>
        %add3A_571 = arith.constant 1 : i32
        %add3A_572 = arith.addi %mul3A_411, %add3A_571 : i32
        %get3A_573 = arith.index_cast %add3A_572 : i32 to index
        %get3A_574 = arith.constant 64 : index
        %get3A_575 = tpu.vector_load %arg17[%get3A_573, %get3A_574] {strides = array<i32>} : memref<256x128xf32, #tpu.memory_space<vmem>>, vector<16xf32>,
        %mul3A_576 = arith.mulf %get3A_558, %get3A_575 : vector<16xf32>
        %add3A_577 = arith.addf %add3A_541, %mul3A_576 : vector<16xf32>
        %add3A_578 = arith.constant 2 : i32
        %add3A_579 = arith.addi %mul3A_411, %add3A_578 : i32
        %get3A_580 = arith.index_cast %add3A_579 : i32 to index
        %get3A_581 = arith.constant 64 : index
        %get3A_582 = tpu.vector_load %arg17[%get3A_580, %get3A_581] {strides = array<i32>} : memref<256x128xf32, #tpu.memory_space<vmem>>, vector<16xf32>,
        %mul3A_583 = arith.mulf %get3A_558, %get3A_582 : vector<16xf32>
        %add3A_584 = arith.addf %add3A_548, %mul3A_583 : vector<16xf32>
        %add3A_585 = arith.constant 3 : i32
        %add3A_586 = arith.addi %mul3A_411, %add3A_585 : i32
        %get3A_587 = arith.index_cast %add3A_586 : i32 to index
        %get3A_588 = arith.constant 64 : index
        %get3A_589 = tpu.vector_load %arg17[%get3A_587, %get3A_588] {strides = array<i32>} : memref<256x128xf32, #tpu.memory_space<vmem>>, vector<16xf32>,
        %mul3A_590 = arith.mulf %get3A_558, %get3A_589 : vector<16xf32>
        %add3A_591 = arith.addf %add3A_555, %mul3A_590 : vector<16xf32>
        %get3A_592 = arith.index_cast %scan3A_409 : i32 to index
        %get3A_593 = arith.constant 80 : index
        %get3A_594 = tpu.vector_load %arg15[%get3A_592, %get3A_593] {strides = array<i32>} : memref<64x128xf32, #tpu.memory_space<vmem>>, vector<16xf32>,
        %get3A_595 = arith.index_cast %scan3A_409 : i32 to index
        %get3A_596 = arith.constant 80 : index
        %get3A_597 = tpu.vector_load %arg16[%get3A_595, %get3A_596] {strides = array<i32>} : memref<64x128xf32, #tpu.memory_space<vmem>>, vector<16xf32>,
        %mul3A_598 = arith.mulf %get3A_594, %get3A_597 : vector<16xf32>
        %add3A_599 = arith.addf %add3A_563, %mul3A_598 : vector<16xf32>
        %add3A_600 = arith.constant 0 : i32
        %add3A_601 = arith.addi %mul3A_411, %add3A_600 : i32
        %get3A_602 = arith.index_cast %add3A_601 : i32 to index
        %get3A_603 = arith.constant 80 : index
        %get3A_604 = tpu.vector_load %arg17[%get3A_602, %get3A_603] {strides = array<i32>} : memref<256x128xf32, #tpu.memory_space<vmem>>, vector<16xf32>,
        %mul3A_605 = arith.mulf %get3A_594, %get3A_604 : vector<16xf32>
        %add3A_606 = arith.addf %add3A_570, %mul3A_605 : vector<16xf32>
        %add3A_607 = arith.constant 1 : i32
        %add3A_608 = arith.addi %mul3A_411, %add3A_607 : i32
        %get3A_609 = arith.index_cast %add3A_608 : i32 to index
        %get3A_610 = arith.constant 80 : index
        %get3A_611 = tpu.vector_load %arg17[%get3A_609, %get3A_610] {strides = array<i32>} : memref<256x128xf32, #tpu.memory_space<vmem>>, vector<16xf32>,
        %mul3A_612 = arith.mulf %get3A_594, %get3A_611 : vector<16xf32>
        %add3A_613 = arith.addf %add3A_577, %mul3A_612 : vector<16xf32>
        %add3A_614 = arith.constant 2 : i32
        %add3A_615 = arith.addi %mul3A_411, %add3A_614 : i32
        %get3A_616 = arith.index_cast %add3A_615 : i32 to index
        %get3A_617 = arith.constant 80 : index
        %get3A_618 = tpu.vector_load %arg17[%get3A_616, %get3A_617] {strides = array<i32>} : memref<256x128xf32, #tpu.memory_space<vmem>>, vector<16xf32>,
        %mul3A_619 = arith.mulf %get3A_594, %get3A_618 : vector<16xf32>
        %add3A_620 = arith.addf %add3A_584, %mul3A_619 : vector<16xf32>
        %add3A_621 = arith.constant 3 : i32
        %add3A_622 = arith.addi %mul3A_411, %add3A_621 : i32
        %get3A_623 = arith.index_cast %add3A_622 : i32 to index
        %get3A_624 = arith.constant 80 : index
        %get3A_625 = tpu.vector_load %arg17[%get3A_623, %get3A_624] {strides = array<i32>} : memref<256x128xf32, #tpu.memory_space<vmem>>, vector<16xf32>,
        %mul3A_626 = arith.mulf %get3A_594, %get3A_625 : vector<16xf32>
        %add3A_627 = arith.addf %add3A_591, %mul3A_626 : vector<16xf32>
        %get3A_628 = arith.index_cast %scan3A_409 : i32 to index
        %get3A_629 = arith.constant 96 : index
        %get3A_630 = tpu.vector_load %arg15[%get3A_628, %get3A_629] {strides = array<i32>} : memref<64x128xf32, #tpu.memory_space<vmem>>, vector<16xf32>,
        %get3A_631 = arith.index_cast %scan3A_409 : i32 to index
        %get3A_632 = arith.constant 96 : index
        %get3A_633 = tpu.vector_load %arg16[%get3A_631, %get3A_632] {strides = array<i32>} : memref<64x128xf32, #tpu.memory_space<vmem>>, vector<16xf32>,
        %mul3A_634 = arith.mulf %get3A_630, %get3A_633 : vector<16xf32>
        %add3A_635 = arith.addf %add3A_599, %mul3A_634 : vector<16xf32>
        %add3A_636 = arith.constant 0 : i32
        %add3A_637 = arith.addi %mul3A_411, %add3A_636 : i32
        %get3A_638 = arith.index_cast %add3A_637 : i32 to index
        %get3A_639 = arith.constant 96 : index
        %get3A_640 = tpu.vector_load %arg17[%get3A_638, %get3A_639] {strides = array<i32>} : memref<256x128xf32, #tpu.memory_space<vmem>>, vector<16xf32>,
        %mul3A_641 = arith.mulf %get3A_630, %get3A_640 : vector<16xf32>
        %add3A_642 = arith.addf %add3A_606, %mul3A_641 : vector<16xf32>
        %add3A_643 = arith.constant 1 : i32
        %add3A_644 = arith.addi %mul3A_411, %add3A_643 : i32
        %get3A_645 = arith.index_cast %add3A_644 : i32 to index
        %get3A_646 = arith.constant 96 : index
        %get3A_647 = tpu.vector_load %arg17[%get3A_645, %get3A_646] {strides = array<i32>} : memref<256x128xf32, #tpu.memory_space<vmem>>, vector<16xf32>,
        %mul3A_648 = arith.mulf %get3A_630, %get3A_647 : vector<16xf32>
        %add3A_649 = arith.addf %add3A_613, %mul3A_648 : vector<16xf32>
        %add3A_650 = arith.constant 2 : i32
        %add3A_651 = arith.addi %mul3A_411, %add3A_650 : i32
        %get3A_652 = arith.index_cast %add3A_651 : i32 to index
        %get3A_653 = arith.constant 96 : index
        %get3A_654 = tpu.vector_load %arg17[%get3A_652, %get3A_653] {strides = array<i32>} : memref<256x128xf32, #tpu.memory_space<vmem>>, vector<16xf32>,
        %mul3A_655 = arith.mulf %get3A_630, %get3A_654 : vector<16xf32>
        %add3A_656 = arith.addf %add3A_620, %mul3A_655 : vector<16xf32>
        %add3A_657 = arith.constant 3 : i32
        %add3A_658 = arith.addi %mul3A_411, %add3A_657 : i32
        %get3A_659 = arith.index_cast %add3A_658 : i32 to index
        %get3A_660 = arith.constant 96 : index
        %get3A_661 = tpu.vector_load %arg17[%get3A_659, %get3A_660] {strides = array<i32>} : memref<256x128xf32, #tpu.memory_space<vmem>>, vector<16xf32>,
        %mul3A_662 = arith.mulf %get3A_630, %get3A_661 : vector<16xf32>
        %add3A_663 = arith.addf %add3A_627, %mul3A_662 : vector<16xf32>
        %get3A_664 = arith.index_cast %scan3A_409 : i32 to index
        %get3A_665 = arith.constant 112 : index
        %get3A_666 = tpu.vector_load %arg15[%get3A_664, %get3A_665] {strides = array<i32>} : memref<64x128xf32, #tpu.memory_space<vmem>>, vector<16xf32>,
        %get3A_667 = arith.index_cast %scan3A_409 : i32 to index
        %get3A_668 = arith.constant 112 : index
        %get3A_669 = tpu.vector_load %arg16[%get3A_667, %get3A_668] {strides = array<i32>} : memref<64x128xf32, #tpu.memory_space<vmem>>, vector<16xf32>,
        %mul3A_670 = arith.mulf %get3A_666, %get3A_669 : vector<16xf32>
        %add3A_671 = arith.addf %add3A_635, %mul3A_670 : vector<16xf32>
        %add3A_672 = arith.constant 0 : i32
        %add3A_673 = arith.addi %mul3A_411, %add3A_672 : i32
        %get3A_674 = arith.index_cast %add3A_673 : i32 to index
        %get3A_675 = arith.constant 112 : index
        %get3A_676 = tpu.vector_load %arg17[%get3A_674, %get3A_675] {strides = array<i32>} : memref<256x128xf32, #tpu.memory_space<vmem>>, vector<16xf32>,
        %mul3A_677 = arith.mulf %get3A_666, %get3A_676 : vector<16xf32>
        %add3A_678 = arith.addf %add3A_642, %mul3A_677 : vector<16xf32>
        %add3A_679 = arith.constant 1 : i32
        %add3A_680 = arith.addi %mul3A_411, %add3A_679 : i32
        %get3A_681 = arith.index_cast %add3A_680 : i32 to index
        %get3A_682 = arith.constant 112 : index
        %get3A_683 = tpu.vector_load %arg17[%get3A_681, %get3A_682] {strides = array<i32>} : memref<256x128xf32, #tpu.memory_space<vmem>>, vector<16xf32>,
        %mul3A_684 = arith.mulf %get3A_666, %get3A_683 : vector<16xf32>
        %add3A_685 = arith.addf %add3A_649, %mul3A_684 : vector<16xf32>
        %add3A_686 = arith.constant 2 : i32
        %add3A_687 = arith.addi %mul3A_411, %add3A_686 : i32
        %get3A_688 = arith.index_cast %add3A_687 : i32 to index
        %get3A_689 = arith.constant 112 : index
        %get3A_690 = tpu.vector_load %arg17[%get3A_688, %get3A_689] {strides = array<i32>} : memref<256x128xf32, #tpu.memory_space<vmem>>, vector<16xf32>,
        %mul3A_691 = arith.mulf %get3A_666, %get3A_690 : vector<16xf32>
        %add3A_692 = arith.addf %add3A_656, %mul3A_691 : vector<16xf32>
        %add3A_693 = arith.constant 3 : i32
        %add3A_694 = arith.addi %mul3A_411, %add3A_693 : i32
        %get3A_695 = arith.index_cast %add3A_694 : i32 to index
        %get3A_696 = arith.constant 112 : index
        %get3A_697 = tpu.vector_load %arg17[%get3A_695, %get3A_696] {strides = array<i32>} : memref<256x128xf32, #tpu.memory_space<vmem>>, vector<16xf32>,
        %mul3A_698 = arith.mulf %get3A_666, %get3A_697 : vector<16xf32>
        %add3A_699 = arith.addf %add3A_663, %mul3A_698 : vector<16xf32>
        %add3A_700 = arith.addi %mul3A_12, %scan3A_409 : i32
        %broadcast_in_dim3A_701 = vector.broadcast %add3A_700 : i32 to vector<16xi32>
        %cumsum3A_702 = arith.constant true
        %cumsum3A_703 = vector.broadcast %cumsum3A_702 : i1 to vector<16xi1>
        %cumsum3A_704 = tpu.scan <sum>, %add3A_671 masked %cumsum3A_703 : vector<16xf32>, vector<16xi1> -> vector<16xf32>
        %rev3A_705 = arith.constant 15 : i32
        %rev3A_706 = vector.broadcast %rev3A_705 : i32 to vector<16xi32>
        %rev3A_707 = tpu.iota {dimensions = array<i32: 0>} : vector<16xi32>
        %rev3A_708 = arith.subi %rev3A_706, %rev3A_707 : vector<16xi32>
        %rev3A_709 = tpu.dynamic_gather %cumsum3A_704[%rev3A_708] in [0] : vector<16xf32>, vector<16xi32> -> vector<16xf32>
        tpu.vector_store_idx %arg18[%broadcast_in_dim3A_701], %rev3A_709 masked %eq3A_71 : memref<5056xf32, #tpu.memory_space<vmem>>[vector<16xi32>], vector<16xf32>, vector<16xi1>
        %cumsum3A_710 = arith.constant true
        %cumsum3A_711 = vector.broadcast %cumsum3A_710 : i1 to vector<16xi1>
        %cumsum3A_712 = tpu.scan <sum>, %add3A_678 masked %cumsum3A_711 : vector<16xf32>, vector<16xi1> -> vector<16xf32>
        %rev3A_713 = arith.constant 15 : i32
        %rev3A_714 = vector.broadcast %rev3A_713 : i32 to vector<16xi32>
        %rev3A_715 = tpu.iota {dimensions = array<i32: 0>} : vector<16xi32>
        %rev3A_716 = arith.subi %rev3A_714, %rev3A_715 : vector<16xi32>
        %rev3A_717 = tpu.dynamic_gather %cumsum3A_712[%rev3A_716] in [0] : vector<16xf32>, vector<16xi32> -> vector<16xf32>
        tpu.vector_store_idx %arg19[%broadcast_in_dim3A_701], %rev3A_717 masked %eq3A_71 : memref<5056xf32, #tpu.memory_space<vmem>>[vector<16xi32>], vector<16xf32>, vector<16xi1>
        %cumsum3A_718 = arith.constant true
        %cumsum3A_719 = vector.broadcast %cumsum3A_718 : i1 to vector<16xi1>
        %cumsum3A_720 = tpu.scan <sum>, %add3A_685 masked %cumsum3A_719 : vector<16xf32>, vector<16xi1> -> vector<16xf32>
        %rev3A_721 = arith.constant 15 : i32
        %rev3A_722 = vector.broadcast %rev3A_721 : i32 to vector<16xi32>
        %rev3A_723 = tpu.iota {dimensions = array<i32: 0>} : vector<16xi32>
        %rev3A_724 = arith.subi %rev3A_722, %rev3A_723 : vector<16xi32>
        %rev3A_725 = tpu.dynamic_gather %cumsum3A_720[%rev3A_724] in [0] : vector<16xf32>, vector<16xi32> -> vector<16xf32>
        tpu.vector_store_idx %arg20[%broadcast_in_dim3A_701], %rev3A_725 masked %eq3A_71 : memref<5056xf32, #tpu.memory_space<vmem>>[vector<16xi32>], vector<16xf32>, vector<16xi1>
        %cumsum3A_726 = arith.constant true
        %cumsum3A_727 = vector.broadcast %cumsum3A_726 : i1 to vector<16xi1>
        %cumsum3A_728 = tpu.scan <sum>, %add3A_692 masked %cumsum3A_727 : vector<16xf32>, vector<16xi1> -> vector<16xf32>
        %rev3A_729 = arith.constant 15 : i32
        %rev3A_730 = vector.broadcast %rev3A_729 : i32 to vector<16xi32>
        %rev3A_731 = tpu.iota {dimensions = array<i32: 0>} : vector<16xi32>
        %rev3A_732 = arith.subi %rev3A_730, %rev3A_731 : vector<16xi32>
        %rev3A_733 = tpu.dynamic_gather %cumsum3A_728[%rev3A_732] in [0] : vector<16xf32>, vector<16xi32> -> vector<16xf32>
        tpu.vector_store_idx %arg21[%broadcast_in_dim3A_701], %rev3A_733 masked %eq3A_71 : memref<5056xf32, #tpu.memory_space<vmem>>[vector<16xi32>], vector<16xf32>, vector<16xi1>
        %cumsum3A_734 = arith.constant true
        %cumsum3A_735 = vector.broadcast %cumsum3A_734 : i1 to vector<16xi1>
        %cumsum3A_736 = tpu.scan <sum>, %add3A_699 masked %cumsum3A_735 : vector<16xf32>, vector<16xi1> -> vector<16xf32>
        %rev3A_737 = arith.constant 15 : i32
        %rev3A_738 = vector.broadcast %rev3A_737 : i32 to vector<16xi32>
        %rev3A_739 = tpu.iota {dimensions = array<i32: 0>} : vector<16xi32>
        %rev3A_740 = arith.subi %rev3A_738, %rev3A_739 : vector<16xi32>
        %rev3A_741 = tpu.dynamic_gather %cumsum3A_736[%rev3A_740] in [0] : vector<16xf32>, vector<16xi32> -> vector<16xf32>
        tpu.vector_store_idx %arg22[%broadcast_in_dim3A_701], %rev3A_741 masked %eq3A_71 : memref<5056xf32, #tpu.memory_space<vmem>>[vector<16xi32>], vector<16xf32>, vector<16xi1>
      }
      %scan3A_77 = arith.constant 64 : i32
    }
    %scan3A_6 = arith.constant 79 : i32
    "tpu.region"() ({
      %run_scoped3A = tpu.sem_alloc : memref<!tpu.dma_semaphore, #tpu.memory_space<semaphore_mem>>
      %dma_start3A = tpu.memref_slice %arg7[%mul3A_2] : memref<161792xf32, #tpu.memory_space<hbm>> -> memref<5056xf32, #tpu.memory_space<hbm>>
      %dma_start3A_7 = tpu.memref_slice %arg7[%mul3A_2] : memref<161792xf32, #tpu.memory_space<hbm>> -> memref<5056xf32, #tpu.memory_space<hbm>>
      tpu.enqueue_dma source(%arg18 : memref<5056xf32, #tpu.memory_space<vmem>>) target(%dma_start3A_7 : memref<5056xf32, #tpu.memory_space<hbm>>) target_semaphore(%run_scoped3A : memref<!tpu.dma_semaphore, #tpu.memory_space<semaphore_mem>>)
      %dma_wait3A = tpu.memref_slice %arg7[%mul3A_2] : memref<161792xf32, #tpu.memory_space<hbm>> -> memref<5056xf32, #tpu.memory_space<hbm>>
      %dma_wait3A_8 = tpu.memref_slice %arg7[%mul3A_2] : memref<161792xf32, #tpu.memory_space<hbm>> -> memref<5056xf32, #tpu.memory_space<hbm>>
      tpu.wait_dma2 semaphore(%run_scoped3A : memref<!tpu.dma_semaphore, #tpu.memory_space<semaphore_mem>>) src(%arg18 : memref<5056xf32, #tpu.memory_space<vmem>>) dst(%dma_wait3A_8 : memref<5056xf32, #tpu.memory_space<hbm>>)
      tpu.yield
    }) : () -> ()
    "tpu.region"() ({
      %run_scoped3A = tpu.sem_alloc : memref<!tpu.dma_semaphore, #tpu.memory_space<semaphore_mem>>
      %dma_start3A = tpu.memref_slice %arg8[%mul3A_2] : memref<161792xf32, #tpu.memory_space<hbm>> -> memref<5056xf32, #tpu.memory_space<hbm>>
      %dma_start3A_7 = tpu.memref_slice %arg8[%mul3A_2] : memref<161792xf32, #tpu.memory_space<hbm>> -> memref<5056xf32, #tpu.memory_space<hbm>>
      tpu.enqueue_dma source(%arg19 : memref<5056xf32, #tpu.memory_space<vmem>>) target(%dma_start3A_7 : memref<5056xf32, #tpu.memory_space<hbm>>) target_semaphore(%run_scoped3A : memref<!tpu.dma_semaphore, #tpu.memory_space<semaphore_mem>>)
      %dma_wait3A = tpu.memref_slice %arg8[%mul3A_2] : memref<161792xf32, #tpu.memory_space<hbm>> -> memref<5056xf32, #tpu.memory_space<hbm>>
      %dma_wait3A_8 = tpu.memref_slice %arg8[%mul3A_2] : memref<161792xf32, #tpu.memory_space<hbm>> -> memref<5056xf32, #tpu.memory_space<hbm>>
      tpu.wait_dma2 semaphore(%run_scoped3A : memref<!tpu.dma_semaphore, #tpu.memory_space<semaphore_mem>>) src(%arg19 : memref<5056xf32, #tpu.memory_space<vmem>>) dst(%dma_wait3A_8 : memref<5056xf32, #tpu.memory_space<hbm>>)
      tpu.yield
    }) : () -> ()
    "tpu.region"() ({
      %run_scoped3A = tpu.sem_alloc : memref<!tpu.dma_semaphore, #tpu.memory_space<semaphore_mem>>
      %dma_start3A = tpu.memref_slice %arg9[%mul3A_2] : memref<161792xf32, #tpu.memory_space<hbm>> -> memref<5056xf32, #tpu.memory_space<hbm>>
      %dma_start3A_7 = tpu.memref_slice %arg9[%mul3A_2] : memref<161792xf32, #tpu.memory_space<hbm>> -> memref<5056xf32, #tpu.memory_space<hbm>>
      tpu.enqueue_dma source(%arg20 : memref<5056xf32, #tpu.memory_space<vmem>>) target(%dma_start3A_7 : memref<5056xf32, #tpu.memory_space<hbm>>) target_semaphore(%run_scoped3A : memref<!tpu.dma_semaphore, #tpu.memory_space<semaphore_mem>>)
      %dma_wait3A = tpu.memref_slice %arg9[%mul3A_2] : memref<161792xf32, #tpu.memory_space<hbm>> -> memref<5056xf32, #tpu.memory_space<hbm>>
      %dma_wait3A_8 = tpu.memref_slice %arg9[%mul3A_2] : memref<161792xf32, #tpu.memory_space<hbm>> -> memref<5056xf32, #tpu.memory_space<hbm>>
      tpu.wait_dma2 semaphore(%run_scoped3A : memref<!tpu.dma_semaphore, #tpu.memory_space<semaphore_mem>>) src(%arg20 : memref<5056xf32, #tpu.memory_space<vmem>>) dst(%dma_wait3A_8 : memref<5056xf32, #tpu.memory_space<hbm>>)
      tpu.yield
    }) : () -> ()
    "tpu.region"() ({
      %run_scoped3A = tpu.sem_alloc : memref<!tpu.dma_semaphore, #tpu.memory_space<semaphore_mem>>
      %dma_start3A = tpu.memref_slice %arg10[%mul3A_2] : memref<161792xf32, #tpu.memory_space<hbm>> -> memref<5056xf32, #tpu.memory_space<hbm>>
      %dma_start3A_7 = tpu.memref_slice %arg10[%mul3A_2] : memref<161792xf32, #tpu.memory_space<hbm>> -> memref<5056xf32, #tpu.memory_space<hbm>>
      tpu.enqueue_dma source(%arg21 : memref<5056xf32, #tpu.memory_space<vmem>>) target(%dma_start3A_7 : memref<5056xf32, #tpu.memory_space<hbm>>) target_semaphore(%run_scoped3A : memref<!tpu.dma_semaphore, #tpu.memory_space<semaphore_mem>>)
      %dma_wait3A = tpu.memref_slice %arg10[%mul3A_2] : memref<161792xf32, #tpu.memory_space<hbm>> -> memref<5056xf32, #tpu.memory_space<hbm>>
      %dma_wait3A_8 = tpu.memref_slice %arg10[%mul3A_2] : memref<161792xf32, #tpu.memory_space<hbm>> -> memref<5056xf32, #tpu.memory_space<hbm>>
      tpu.wait_dma2 semaphore(%run_scoped3A : memref<!tpu.dma_semaphore, #tpu.memory_space<semaphore_mem>>) src(%arg21 : memref<5056xf32, #tpu.memory_space<vmem>>) dst(%dma_wait3A_8 : memref<5056xf32, #tpu.memory_space<hbm>>)
      tpu.yield
    }) : () -> ()
    "tpu.region"() ({
      %run_scoped3A = tpu.sem_alloc : memref<!tpu.dma_semaphore, #tpu.memory_space<semaphore_mem>>
      %dma_start3A = tpu.memref_slice %arg11[%mul3A_2] : memref<161792xf32, #tpu.memory_space<hbm>> -> memref<5056xf32, #tpu.memory_space<hbm>>
      %dma_start3A_7 = tpu.memref_slice %arg11[%mul3A_2] : memref<161792xf32, #tpu.memory_space<hbm>> -> memref<5056xf32, #tpu.memory_space<hbm>>
      tpu.enqueue_dma source(%arg22 : memref<5056xf32, #tpu.memory_space<vmem>>) target(%dma_start3A_7 : memref<5056xf32, #tpu.memory_space<hbm>>) target_semaphore(%run_scoped3A : memref<!tpu.dma_semaphore, #tpu.memory_space<semaphore_mem>>)
      %dma_wait3A = tpu.memref_slice %arg11[%mul3A_2] : memref<161792xf32, #tpu.memory_space<hbm>> -> memref<5056xf32, #tpu.memory_space<hbm>>
      %dma_wait3A_8 = tpu.memref_slice %arg11[%mul3A_2] : memref<161792xf32, #tpu.memory_space<hbm>> -> memref<5056xf32, #tpu.memory_space<hbm>>
      tpu.wait_dma2 semaphore(%run_scoped3A : memref<!tpu.dma_semaphore, #tpu.memory_space<semaphore_mem>>) src(%arg22 : memref<5056xf32, #tpu.memory_space<vmem>>) dst(%dma_wait3A_8 : memref<5056xf32, #tpu.memory_space<hbm>>)
      tpu.yield
    }) : () -> ()
    return
  }
}

module attributes {stable_mosaic.version = 14 : i64} {
  func.func @body(%arg0: memref<1250x128xf32, #tpu.memory_space<vmem>>, %arg1: memref<1250x128xf32, #tpu.memory_space<vmem>>, %arg2: memref<1250x128xf32, #tpu.memory_space<vmem>>, %arg3: memref<1250x128xf32, #tpu.memory_space<vmem>>, %arg4: memref<1250x128xf32, #tpu.memory_space<vmem>>, %arg5: memref<1x1xf32, #tpu.memory_space<vmem>>) attributes {dimension_semantics = [], scalar_prefetch = 0 : i64, scratch_operands = 0 : i64, tpu.core_type = #tpu.core_type<tc>} {
    %get3A = arith.constant 0 : index
    %get3A_0 = arith.constant 0 : index
    %get3A_1 = vector.load %arg0[%get3A, %get3A_0] : memref<1250x128xf32, #tpu.memory_space<vmem>>, vector<1250x128xf32>
    %get3A_2 = arith.constant 0 : index
    %get3A_3 = arith.constant 0 : index
    %get3A_4 = vector.load %arg1[%get3A_2, %get3A_3] : memref<1250x128xf32, #tpu.memory_space<vmem>>, vector<1250x128xf32>
    %get3A_5 = arith.constant 0 : index
    %get3A_6 = arith.constant 0 : index
    %get3A_7 = vector.load %arg2[%get3A_5, %get3A_6] : memref<1250x128xf32, #tpu.memory_space<vmem>>, vector<1250x128xf32>
    %get3A_8 = arith.constant 0 : index
    %get3A_9 = arith.constant 0 : index
    %get3A_10 = vector.load %arg3[%get3A_8, %get3A_9] : memref<1250x128xf32, #tpu.memory_space<vmem>>, vector<1250x128xf32>
    %get3A_11 = arith.constant 0 : index
    %get3A_12 = arith.constant 0 : index
    %get3A_13 = vector.load %arg4[%get3A_11, %get3A_12] : memref<1250x128xf32, #tpu.memory_space<vmem>>, vector<1250x128xf32>
    %neg3A = arith.constant 0.000000e+00 : f32
    %neg3A_14 = vector.broadcast %neg3A : f32 to vector<1250x128xf32>
    %neg3A_15 = arith.subf %neg3A_14, %get3A_1 : vector<1250x128xf32>
    %custom_jvp_call3A = arith.constant 0.000000e+00 : f32
    %max3A = vector.broadcast %custom_jvp_call3A : f32 to vector<1250x128xf32>
    %max3A_16 = arith.maximumf %max3A, %neg3A_15 : vector<1250x128xf32>
    %sub3A = vector.broadcast %custom_jvp_call3A : f32 to vector<1250x128xf32>
    %sub3A_17 = arith.subf %sub3A, %neg3A_15 : vector<1250x128xf32>
    %ne3A = arith.cmpf one, %sub3A_17, %sub3A_17 : vector<1250x128xf32>
    %add3A = vector.broadcast %custom_jvp_call3A : f32 to vector<1250x128xf32>
    %add3A_18 = arith.addf %add3A, %neg3A_15 : vector<1250x128xf32>
    %abs3A = math.absf %sub3A_17 : vector<1250x128xf32>
    %neg3A_19 = arith.constant 0.000000e+00 : f32
    %neg3A_20 = vector.broadcast %neg3A_19 : f32 to vector<1250x128xf32>
    %neg3A_21 = arith.subf %neg3A_20, %abs3A : vector<1250x128xf32>
    %exp3A = math.exp %neg3A_21 : vector<1250x128xf32>
    %log1p3A = math.log1p %exp3A : vector<1250x128xf32>
    %add3A_22 = arith.addf %max3A_16, %log1p3A : vector<1250x128xf32>
    %select_n3A = arith.select %ne3A, %add3A_18, %add3A_22 : vector<1250x128xi1>, vector<1250x128xf32>
    %max3A_23 = arith.maximumf %get3A_4, %get3A_7 : vector<1250x128xf32>
    %max3A_24 = arith.maximumf %get3A_10, %get3A_13 : vector<1250x128xf32>
    %max3A_25 = arith.maximumf %max3A_23, %max3A_24 : vector<1250x128xf32>
    %sub3A_26 = arith.subf %get3A_4, %max3A_25 : vector<1250x128xf32>
    %exp3A_27 = math.exp %sub3A_26 : vector<1250x128xf32>
    %sub3A_28 = arith.subf %get3A_7, %max3A_25 : vector<1250x128xf32>
    %exp3A_29 = math.exp %sub3A_28 : vector<1250x128xf32>
    %sub3A_30 = arith.subf %get3A_10, %max3A_25 : vector<1250x128xf32>
    %exp3A_31 = math.exp %sub3A_30 : vector<1250x128xf32>
    %sub3A_32 = arith.subf %get3A_13, %max3A_25 : vector<1250x128xf32>
    %exp3A_33 = math.exp %sub3A_32 : vector<1250x128xf32>
    %add3A_34 = arith.addf %exp3A_27, %exp3A_29 : vector<1250x128xf32>
    %add3A_35 = arith.addf %add3A_34, %exp3A_31 : vector<1250x128xf32>
    %add3A_36 = arith.addf %add3A_35, %exp3A_33 : vector<1250x128xf32>
    %custom_jvp_call3A_37 = arith.constant 0.000000e+00 : f32
    %max3A_38 = vector.broadcast %custom_jvp_call3A_37 : f32 to vector<1250x128xf32>
    %max3A_39 = arith.maximumf %max3A_38, %get3A_4 : vector<1250x128xf32>
    %sub3A_40 = vector.broadcast %custom_jvp_call3A_37 : f32 to vector<1250x128xf32>
    %sub3A_41 = arith.subf %sub3A_40, %get3A_4 : vector<1250x128xf32>
    %ne3A_42 = arith.cmpf one, %sub3A_41, %sub3A_41 : vector<1250x128xf32>
    %add3A_43 = vector.broadcast %custom_jvp_call3A_37 : f32 to vector<1250x128xf32>
    %add3A_44 = arith.addf %add3A_43, %get3A_4 : vector<1250x128xf32>
    %abs3A_45 = math.absf %sub3A_41 : vector<1250x128xf32>
    %neg3A_46 = arith.constant 0.000000e+00 : f32
    %neg3A_47 = vector.broadcast %neg3A_46 : f32 to vector<1250x128xf32>
    %neg3A_48 = arith.subf %neg3A_47, %abs3A_45 : vector<1250x128xf32>
    %exp3A_49 = math.exp %neg3A_48 : vector<1250x128xf32>
    %log1p3A_50 = math.log1p %exp3A_49 : vector<1250x128xf32>
    %add3A_51 = arith.addf %max3A_39, %log1p3A_50 : vector<1250x128xf32>
    %select_n3A_52 = arith.select %ne3A_42, %add3A_44, %add3A_51 : vector<1250x128xi1>, vector<1250x128xf32>
    %mul3A = arith.mulf %exp3A_27, %select_n3A_52 : vector<1250x128xf32>
    %custom_jvp_call3A_53 = arith.constant 0.000000e+00 : f32
    %max3A_54 = vector.broadcast %custom_jvp_call3A_53 : f32 to vector<1250x128xf32>
    %max3A_55 = arith.maximumf %max3A_54, %get3A_7 : vector<1250x128xf32>
    %sub3A_56 = vector.broadcast %custom_jvp_call3A_53 : f32 to vector<1250x128xf32>
    %sub3A_57 = arith.subf %sub3A_56, %get3A_7 : vector<1250x128xf32>
    %ne3A_58 = arith.cmpf one, %sub3A_57, %sub3A_57 : vector<1250x128xf32>
    %add3A_59 = vector.broadcast %custom_jvp_call3A_53 : f32 to vector<1250x128xf32>
    %add3A_60 = arith.addf %add3A_59, %get3A_7 : vector<1250x128xf32>
    %abs3A_61 = math.absf %sub3A_57 : vector<1250x128xf32>
    %neg3A_62 = arith.constant 0.000000e+00 : f32
    %neg3A_63 = vector.broadcast %neg3A_62 : f32 to vector<1250x128xf32>
    %neg3A_64 = arith.subf %neg3A_63, %abs3A_61 : vector<1250x128xf32>
    %exp3A_65 = math.exp %neg3A_64 : vector<1250x128xf32>
    %log1p3A_66 = math.log1p %exp3A_65 : vector<1250x128xf32>
    %add3A_67 = arith.addf %max3A_55, %log1p3A_66 : vector<1250x128xf32>
    %select_n3A_68 = arith.select %ne3A_58, %add3A_60, %add3A_67 : vector<1250x128xi1>, vector<1250x128xf32>
    %mul3A_69 = arith.mulf %exp3A_29, %select_n3A_68 : vector<1250x128xf32>
    %add3A_70 = arith.addf %mul3A, %mul3A_69 : vector<1250x128xf32>
    %custom_jvp_call3A_71 = arith.constant 0.000000e+00 : f32
    %max3A_72 = vector.broadcast %custom_jvp_call3A_71 : f32 to vector<1250x128xf32>
    %max3A_73 = arith.maximumf %max3A_72, %get3A_10 : vector<1250x128xf32>
    %sub3A_74 = vector.broadcast %custom_jvp_call3A_71 : f32 to vector<1250x128xf32>
    %sub3A_75 = arith.subf %sub3A_74, %get3A_10 : vector<1250x128xf32>
    %ne3A_76 = arith.cmpf one, %sub3A_75, %sub3A_75 : vector<1250x128xf32>
    %add3A_77 = vector.broadcast %custom_jvp_call3A_71 : f32 to vector<1250x128xf32>
    %add3A_78 = arith.addf %add3A_77, %get3A_10 : vector<1250x128xf32>
    %abs3A_79 = math.absf %sub3A_75 : vector<1250x128xf32>
    %neg3A_80 = arith.constant 0.000000e+00 : f32
    %neg3A_81 = vector.broadcast %neg3A_80 : f32 to vector<1250x128xf32>
    %neg3A_82 = arith.subf %neg3A_81, %abs3A_79 : vector<1250x128xf32>
    %exp3A_83 = math.exp %neg3A_82 : vector<1250x128xf32>
    %log1p3A_84 = math.log1p %exp3A_83 : vector<1250x128xf32>
    %add3A_85 = arith.addf %max3A_73, %log1p3A_84 : vector<1250x128xf32>
    %select_n3A_86 = arith.select %ne3A_76, %add3A_78, %add3A_85 : vector<1250x128xi1>, vector<1250x128xf32>
    %mul3A_87 = arith.mulf %exp3A_31, %select_n3A_86 : vector<1250x128xf32>
    %add3A_88 = arith.addf %add3A_70, %mul3A_87 : vector<1250x128xf32>
    %custom_jvp_call3A_89 = arith.constant 0.000000e+00 : f32
    %max3A_90 = vector.broadcast %custom_jvp_call3A_89 : f32 to vector<1250x128xf32>
    %max3A_91 = arith.maximumf %max3A_90, %get3A_13 : vector<1250x128xf32>
    %sub3A_92 = vector.broadcast %custom_jvp_call3A_89 : f32 to vector<1250x128xf32>
    %sub3A_93 = arith.subf %sub3A_92, %get3A_13 : vector<1250x128xf32>
    %ne3A_94 = arith.cmpf one, %sub3A_93, %sub3A_93 : vector<1250x128xf32>
    %add3A_95 = vector.broadcast %custom_jvp_call3A_89 : f32 to vector<1250x128xf32>
    %add3A_96 = arith.addf %add3A_95, %get3A_13 : vector<1250x128xf32>
    %abs3A_97 = math.absf %sub3A_93 : vector<1250x128xf32>
    %neg3A_98 = arith.constant 0.000000e+00 : f32
    %neg3A_99 = vector.broadcast %neg3A_98 : f32 to vector<1250x128xf32>
    %neg3A_100 = arith.subf %neg3A_99, %abs3A_97 : vector<1250x128xf32>
    %exp3A_101 = math.exp %neg3A_100 : vector<1250x128xf32>
    %log1p3A_102 = math.log1p %exp3A_101 : vector<1250x128xf32>
    %add3A_103 = arith.addf %max3A_91, %log1p3A_102 : vector<1250x128xf32>
    %select_n3A_104 = arith.select %ne3A_94, %add3A_96, %add3A_103 : vector<1250x128xi1>, vector<1250x128xf32>
    %mul3A_105 = arith.mulf %exp3A_33, %select_n3A_104 : vector<1250x128xf32>
    %add3A_106 = arith.addf %add3A_88, %mul3A_105 : vector<1250x128xf32>
    %div3A = arith.divf %add3A_106, %add3A_36 : vector<1250x128xf32>
    %reduce_sum3A = vector.shape_cast %select_n3A : vector<1250x128xf32> to vector<1x1250x128xf32>
    %reduce_sum3A_107 = arith.constant dense<0.000000e+00> : vector<1xf32>
    %reduce_sum3A_108 = vector.multi_reduction <add>, %reduce_sum3A, %reduce_sum3A_107 [1, 2] : vector<1x1250x128xf32> to vector<1xf32>
    %reduce_sum3A_109 = vector.shape_cast %reduce_sum3A_108 : vector<1xf32> to vector<1x1x1xf32>
    %reduce_sum3A_110 = vector.extract %reduce_sum3A_109[0, 0, 0] : f32 from vector<1x1x1xf32>
    %reduce_sum3A_111 = vector.shape_cast %div3A : vector<1250x128xf32> to vector<1x1250x128xf32>
    %reduce_sum3A_112 = arith.constant dense<0.000000e+00> : vector<1xf32>
    %reduce_sum3A_113 = vector.multi_reduction <add>, %reduce_sum3A_111, %reduce_sum3A_112 [1, 2] : vector<1x1250x128xf32> to vector<1xf32>
    %reduce_sum3A_114 = vector.shape_cast %reduce_sum3A_113 : vector<1xf32> to vector<1x1x1xf32>
    %reduce_sum3A_115 = vector.extract %reduce_sum3A_114[0, 0, 0] : f32 from vector<1x1x1xf32>
    %add3A_116 = arith.addf %reduce_sum3A_110, %reduce_sum3A_115 : f32
    %div3A_117 = arith.constant 1.600000e+05 : f32
    %div3A_118 = arith.divf %add3A_116, %div3A_117 : f32
    %reshape3A = vector.broadcast %div3A_118 : f32 to vector<1x1xf32>
    %swap3A = arith.constant 0 : index
    %swap3A_119 = arith.constant 0 : index
    %swap3A_120 = vector.load %arg5[%swap3A, %swap3A_119] : memref<1x1xf32, #tpu.memory_space<vmem>>, vector<1x1xf32>
    tpu.vector_store %arg5[%swap3A, %swap3A_119], %reshape3A {strides = array<i32>} : memref<1x1xf32, #tpu.memory_space<vmem>>, vector<1x1xf32>,
    return
  }
}

</mosaic_0001>

<sc_bundles>
// kernel: kernel.4.cloned.1.call-start
scs
__scs_entry_jumppad:
0x0: {  	(pc) =	sbr.rel $0x88, $3  }
0x1: {  	(tag) =	ssettag $0x0;
	lr =	simm.s32 $0x1  }
0x2: {  	[smem:$0x3F9D] =	sst lr;
	_ =	strace $0xD0000000  }
0x3: {  	_ = 	snop  }
0x4: {  	_ = 	snop  }
0x5: {  	_ = 	snop  }
0x6: {  	_ = 	snop  }
0x7: {  	_ = 	snop  }
__scs_overlays_trampoline_lowered:
0x8: {  	[smem:$0x3FAC] =	sst s0  }
0x9: {  	[smem:$0x3FAD] =	sst s1  }
0xa: {  	[smem:$0x3FAE] =	sst s2  }
0xb: {  	[smem:$0x3FAF] =	sst s3  }
0xc: {  	[smem:$0x3FB0] =	sst s4  }
0xd: {  	[smem:$0x3FB1] =	sst s5  }
0xe: {  	[smem:$0x3FB2] =	sst s6  }
0xf: {  	[smem:$0x3FB3] =	sst s7  }
0x10: {  	[smem:$0x3FB4] =	sst s8  }
0x11: {  	[smem:$0x3FB5] =	sst s9;
	s0 =	simm.s32 @!p0 $0x0  }
0x12: {  	s1 =	sld [smem:$0x3F9B];
	s0 =	simm.s32 @p0 $0x1  }
0x13: {  	[smem:$0x3FB6] =	sst s0;
	s0 =	simm.s32 @!p1 $0x0  }
0x14: {  	s2 =	sld [smem:$0x3F9A];
	s0 =	simm.s32 @p1 $0x1  }
0x15: {  	[smem:$0x3FB7] =	sst s0;
	s0 =	simm.s32 @!p2 $0x0  }
0x16: {  	s3 =	sld [smem:$0x3FDB];
	s0 =	simm.s32 @p2 $0x1  }
0x17: {  	s4 =	simm.s32 $0x1BF5;
	[smem:$0x3FB9] =	sst s0  }
0x18: {  	s0 =	sld [smem:$0x3F9C];
	_ =	swait.ge [sflag:s4], $0x0  }
0x19: {  	s7 =	sld [smem:$0x3F9D]  }
0x1a: {  	s8 =	sadd.s32 $0xFFFFE003, lr  }
0x1b: {  	s9 =	sadd.s32 $0xFFFFFEF7, lr;
	s5 =	simm.s32 $0xFFFFFFFF;
	p2 =	slt.u32 s8, $0xFFFFF086  }
0x1c: {  	p1 =	slt.u32 s9, $0xF7A;
	s5 =	simm.s32 @!p2 $0x0  }
0x1d: {  	s5 =	simm.s32 @p1 $0x1;
	p0 =	seq.s32 s7, s2  }
0x1e: {  	s7 =	smul.u32 @!p0 $0xF7A, s2;
	p2 =	seq.s32 @!p0 s5, $0x0  }
0x1f: {  	s9 =	smul.u32 $0xF7A, s1;
	s8 =	simm.s32 @!p0 $0x1BF5;
	p2 =	por !p2, p0  }
0x20: {  	[sflag:s8] =	ssyncset.s32 @!p0 $0xFFFFF086;
	s6 =	sadd.s32 @!p0 s3, s7;
	s7 =	simm.s32 @!p0 $0x108  }
0x21: {  	s3 =	sadd.s32 s3, s9;
	s6 =	sadd.s32 @!p0 $0x88, s6;
	s7 =	simm.s32 @p2 $0x1082  }
0x22: {  	[simem:s7], [sflag:s8] =	dma.local @!p0 [hbm:s6], $0xF7A  }
0x23: {  	s9 =	sor.u32 $0xD0000000, s2;
	s6 =	simm.s32 $0x108;
	_ =	swait.ge @!p0 [sflag:s8], $0x0  }
0x24: {  	s3 =	sadd.s32 $0x88, s3;
	s6 =	simm.s32 @!p1 $0x1082;
	[sflag:s4] =	ssyncset.s32 $0xFFFFF086  }
0x25: {  	[simem:s6], [sflag:s4] =	dma.local [hbm:s3], $0xF7A  }
0x26: {  	[smem:$0x3F9D] =	sst s1;
	(tag) =	ssettag s2;
	_ =	strace s9  }
0x27: {  	s1 =	sld [smem:$0x3FAD]  }
0x28: {  	s2 =	sld [smem:$0x3FAE]  }
0x29: {  	s4 =	sld [smem:$0x3FB0]  }
0x2a: {  	p0 =	seq.s32 s5, $0x0;
	s5 =	sld [smem:$0x3FB1]  }
0x2b: {  	s6 =	sld [smem:$0x3FB2]  }
0x2c: {  	s7 =	sld [smem:$0x3FB3]  }
0x2d: {  	s3 =	simm.s32 $0x108;
	s8 =	sld [smem:$0x3FB4]  }
0x2e: {  	s3 =	simm.s32 @!p0 $0x1082;
	s9 =	sld [smem:$0x3FB5]  }
0x2f: {  	lr =	sadd.s32 s0, s3;
	s0 =	sld [smem:$0x3FAC]  }
0x30: {  	s3 =	sld [smem:$0x3FAF]  }
0x31: {  	[smem:$0x3FB8] =	sst s10  }
0x32: {  	s10 =	sld [smem:$0x3FB6];
	_ =	sdelay $0x3  }
0x33: {  	p0 =	seq.s32 s10, $0x1;
	s10 =	sld [smem:$0x3FB8];
	_ =	sdelay $0x3  }
0x34: {  	[smem:$0x3FB8] =	sst s10  }
0x35: {  	s10 =	sld [smem:$0x3FB7];
	_ =	sdelay $0x3  }
0x36: {  	p1 =	seq.s32 s10, $0x1;
	s10 =	sld [smem:$0x3FB8];
	_ =	sdelay $0x3  }
0x37: {  	[smem:$0x3FB8] =	sst s10  }
0x38: {  	s10 =	sld [smem:$0x3FB9]  }
0x39: {  	_ = 	snop;
	(pc) =	sbr.ind lr, $3  }
0x3a: {  	_ = 	snop  }
0x3b: {  	_ = 	snop  }
0x3c: {  	p2 =	seq.s32 s10, $0x1;
	s10 =	sld [smem:$0x3FB8]  }
0x3d: {  	_ =	shalt  }
0x3e: {  	_ =	shalt  }
0x3f: {  	_ =	shalt  }
0x40: {  	_ =	shalt  }
0x41: {  	_ =	shalt  }
0x42: {  	_ =	shalt  }
0x43: {  	_ =	shalt  }
0x44: {  	_ =	shalt  }
0x45: {  	_ =	shalt  }
0x46: {  	_ =	shalt  }
0x47: {  	_ =	shalt  }
0x48: {  	_ =	shalt  }
0x49: {  	_ =	shalt  }
0x4a: {  	_ =	shalt  }
0x4b: {  	_ =	shalt  }
0x4c: {  	_ =	shalt  }
0x4d: {  	_ =	shalt  }
0x4e: {  	_ =	shalt  }
0x4f: {  	_ =	shalt  }
0x50: {  	_ =	shalt  }
0x51: {  	_ =	shalt  }
0x52: {  	_ =	shalt  }
0x53: {  	_ =	shalt  }
0x54: {  	_ =	shalt  }
0x55: {  	_ =	shalt  }
0x56: {  	_ =	shalt  }
0x57: {  	_ =	shalt  }
0x58: {  	_ =	shalt  }
0x59: {  	_ =	shalt  }
0x5a: {  	_ =	shalt  }
0x5b: {  	_ =	shalt  }
0x5c: {  	_ =	shalt  }
0x5d: {  	_ =	shalt  }
0x5e: {  	_ =	shalt  }
0x5f: {  	_ =	shalt  }
0x60: {  	_ =	shalt  }
0x61: {  	_ =	shalt  }
0x62: {  	_ =	shalt  }
0x63: {  	_ =	shalt  }
0x64: {  	_ =	shalt  }
0x65: {  	_ =	shalt  }
0x66: {  	_ =	shalt  }
0x67: {  	_ =	shalt  }
0x68: {  	_ =	shalt  }
0x69: {  	_ =	shalt  }
0x6a: {  	_ =	shalt  }
0x6b: {  	_ =	shalt  }
0x6c: {  	_ =	shalt  }
0x6d: {  	_ =	shalt  }
0x6e: {  	_ =	shalt  }
0x6f: {  	_ =	shalt  }
0x70: {  	_ =	shalt  }
0x71: {  	_ =	shalt  }
0x72: {  	_ =	shalt  }
0x73: {  	_ =	shalt  }
0x74: {  	_ =	shalt  }
0x75: {  	_ =	shalt  }
0x76: {  	_ =	shalt  }
0x77: {  	_ =	shalt  }
0x78: {  	_ =	shalt  }
0x79: {  	_ =	shalt  }
0x7a: {  	_ =	shalt  }
0x7b: {  	_ =	shalt  }
0x7c: {  	_ =	shalt  }
0x7d: {  	_ =	shalt  }
0x7e: {  	_ =	shalt  }
0x7f: {  	_ =	shalt  }
0x80: {  	_ =	shalt  }
0x81: {  	_ =	shalt  }
0x82: {  	_ =	shalt  }
0x83: {  	_ =	shalt  }
0x84: {  	_ =	shalt  }
0x85: {  	_ =	shalt  }
0x86: {  	_ =	shalt  }
0x87: {  	_ =	shalt  }
.Lfunc_end0:
.L_simem_size_0:
called_computation_lowered:
.L_overlay_start_0:
0x88: {  	s2 =	sld [smem:$0x3FD9]  }
0x89: {  	s3 =	sld [smem:$0x3FFE];
	_ =	sdelay $0x1  }
0x8a: {  	s1 =	srdreg.scid  }
0x8b: {  	s0 =	sand.u32 $0x1, s1  }
0x8c: {  	s17 =	sshll.u32 s0, $0xA;
	s2 =	sadd.s32 s3, s2  }
0x8d: {  	s2 =	sadd.s32 s2, s17  }
0x8e: {  	[smem:$0x3FC4] =	sst s2  }
0x8f: {  	_ = 	snop  }
0x90: {  	s2 =	sld [smem:$0x3FC9]  }
0x91: {  	s18 =	sld [smem:$0x3FC8];
	(tm) =	ssettm $0x1  }
0x92: {  	s4 =	sld [smem:$0x3FFB];
	_ =	sdelay $0x3  }
0x93: {  	_ =	strace s4  }
0x94: {  	s4 =	sld [smem:$0x3FFC];
	_ =	sdelay $0x3  }
0x95: {  	_ =	strace s4  }
0x96: {  	s4 =	sld [smem:$0x3FFD];
	_ =	sdelay $0x3  }
0x97: {  	_ =	strace s4  }
0x98: {  	_ =	strace $0x8FFFFFFF  }
0x99: {  	s19 =	sld [smem:$0x3FDB];
	_ =	sdelay $0x1  }
0x9a: {  	s5 =	simm.s32 $_scs_section_size  }
0x9b: {  	s6 =	simm.s32 $_size__tile_overlayer_lowered;
	s7 =	simm.s32 $_tile_overlayer_lowered  }
0x9c: {  	s22 =	simm.s32 $0x1BFF;
	s21 =	sshll.u32 s7, $0x1;
	s4 =	sadd.s32 s5, s19  }
0x9d: {  	s8 =	simm.s32 $0x0;
	s20 =	sshll.u32 s6, $0x1;
	s6 =	sadd.s32 s21, s4  }
0x9e: {  	[timem:s8], [sflag:s22] =	dma.local [hbm:s6], s20  }
0x9f: {  	_ =	swait.ge [sflag:s22], s20  }
0xa0: {  	s5 =	ssub.s32 $0x0, s20;
	[sflag:s22] =	ssyncset.done $0x0  }
0xa1: {  	[sflag:s22] =	ssyncadd.s32 s5;
	_ =	sdelay $0x1  }
0xa2: {  	s23 =	simm.s32 $0x1B8B  }
0xa3: {  	_ =	swait.ge [sflag:s23], $0x1  }
0xa4: {  	[sflag:s23] =	ssyncset.done $0x0  }
0xa5: {  	s25 =	simm.s32 $0x1B8E;
	s24 =	sld [smem:$0x3FFE];
	[sflag:s23] =	ssyncadd.s32 $0xFFFFFFFF  }
0xa6: {  	s26 =	simm.s32 $execute0_lowered;
	[smem:$0x3FD2] =	sst s25  }
0xa7: {  	s6 =	sshll.u32 s26, $0x1;
	_ =	strace $0x80000046;
	[dreg:$0x1] =	wrdreg $0xFFFFFFFF  }
0xa8: {  	s28 =	simm.s32 $_size_execute0_lowered;
	s4 =	sadd.s32 s4, s6;
	[dreg:$0x0] =	wrdreg $0x0  }
0xa9: {  	s6 =	sshll.u32 s28, $0x1;
	[dreg:$0x2] =	wrdreg s4  }
0xaa: {  	[dreg:$0x3] =	wrdreg s6  }
0xab: {  	[dreg:$0x4] =	wrdreg $0xC0  }
0xac: {  	_ =	task [dreg:s8], $0x5FFFF  }
0xad: {  	[dreg:$0x1] =	wrdreg $0xFFFFFFFF  }
0xae: {  	[dreg:$0x0] =	wrdreg $0x60  }
0xaf: {  	[dreg:$0x2] =	wrdreg s2  }
0xb0: {  	[dreg:$0x3] =	wrdreg s18  }
0xb1: {  	[dreg:$0x4] =	wrdreg s24  }
0xb2: {  	[dreg:$0x5] =	wrdreg $0x9  }
0xb3: {  	_ =	task.clear_ibuf [dreg:s8], $0x6FFFF;
	_ =	strace $0x90000046  }
0xb4: {  	s29 =	simm.s32 $0x9;
	_ =	strace $0x80000048  }
0xb5: {  	_ =	swait.ge [sflag:s29], $0x1  }
0xb6: {  	[sflag:s29] =	ssyncadd.s32 $0xFFFFFFFF  }
0xb7: {  	_ =	strace $0x90000048  }
0xb8: {  	_ =	sfence  }
0xb9: {  	s30 =	sld [smem:$0x0];
	_ =	sdelay $0x2  }
0xba: {  	s31 =	sshll.u32 s1, $0xD;
	s1 =	sshrl.u32 s1, $0x2  }
0xbb: {  	s3 =	sand.u32 $0x4000, s31;
	s1 =	sadd.s32 s1, s30  }
0xbc: {  	s0 =	sor.u32 s3, s0;
	s1 =	sshll.u32 s1, $0x11  }
0xbd: {  	s0 =	sor.u32 s1, s0  }
0xbe: {  	s0 =	sadd.s32 $0x8F2B, s0  }
0xbf: {  	[sflag:s0] =	ssyncadd.remote.s32 $0x1  }
0xc0: {  	_ =	sfence.sel $0xFFFF  }
0xc1: {  	[dreg:$0x0] =	wrdreg $0xFFFFFFFF;
	(pc) =	sbr.abs _section_cstart, $3  }
0xc2: {  	[dreg:$0x1] =	wrdreg $0xFFFFFFFF  }
0xc3: {  	_ =	task.clear_ibuf [dreg:s8], $0x2FFFF;
	_ =	strace $0x9FFFFFFF  }
0xc4: {  	(tm) =	ssettm $0x7FFFFFFF  }
0xc5: {  	_ =	shalt  }
tec
execute0_lowered:
.L_overlay_start_1:
0x0: {  	(tag) =	ssettag $0x1  }
0x1: {  	s1 =	rddreg [dreg:$0x0]  }
0x2: {  	s3 =	rddreg [dreg:$0x1]  }
0x3: {  	s0 =	srdreg.scid;
	s4 =	stileid.u32  }
0x4: {  	s2 =	rddreg [dreg:$0x2];
	s16 =	simm.s32 $0x2;
	s17 =	simm.s32 $0x80  }
0x5: {  	s18 =	simm.s32 $0x100;
	s19 =	simm.s32 $0x180;
	s20 =	simm.s32 $0x40  }
0x6: {  	s28 =	simm.s32 $0xD600;
	s0 =	sand.u32 $0x1, s0;
	s5 =	sshll.u32 s4, $0x1  }
0x7: {  	s29 =	simm.s32 $0xEA00;
	s30 =	simm.s32 $0xFE00;
	s5 =	sor.u32 s0, s5  }
0x8: {  	s31 =	simm.s32 $0x11200;
	s0 =	ssub.s32 $0x2, s0;
	s5 =	smul.u32 $0x13C0, s5  }
0x9: {  	s4 =	simm.s32 $0x0;
	s6 =	sadd.s32 $0x5A00, s2;
	s21 =	sshrl.u32 s0, $0x1  }
0xa: {  	s7 =	sadd.s32 $0xA00, s2;
	s0 =	ssub.s32 s0, s21;
	s9 =	sshrl.u32 s5, $0x3  }
0xb: {  	[smem:$0x7FF] =	sst s4;
	s0 =	smax.u32 s0, $0x1;
	s10 =	sadd.s32 s9, s2  }
0xc: {  	_ =	strace $0x80000047;
	[dreg:$0x9] =	wrdreg s0;
	s22 =	sadd.s32 $0x1E600, s10  }
0xd: {  	s8 =	sadd.s32 $0xAA00, s2;
	s23 =	sadd.s32 $0x23600, s10;
	[dreg:$0x4] =	wrdreg s22  }
0xe: {  	s21 =	simm.s32 $0x200;
	s24 =	sadd.s32 $0x28600, s10;
	[dreg:$0x5] =	wrdreg s23  }
0xf: {  	v0 =	vlaneseq.u32;
	s9 =	sadd.s32 $0xAA10, s2;
	s25 =	sadd.s32 $0x2D600, s10;
	[dreg:$0x6] =	wrdreg s24  }
0x10: {  	v0 =	vmul.u32 $0xFFFFFFFF, v0;
	s2 =	simm.s32 $0x0;
	s26 =	sadd.s32 $0x32600, s10;
	[dreg:$0x7] =	wrdreg s25  }
0x11: {  	[dreg:$0x8] =	wrdreg s26;
	s22 =	simm.s32 $0x2200;
	s23 =	simm.s32 $0x4200  }
0x12: {  	v0 =	vadd.s32 $0xF, v0;
	s24 =	simm.s32 $0x8200;
	s25 =	simm.s32 $0x1;
	s26 =	simm.s32 $0xC200  }
.LBB2_1:
0x13: {  	[dreg:$0xa] =	wrdreg s2;
	s0 =	simm.s32 $0x0;
	s10 =	simm.s32 $0x0  }
.LBB2_2:
0x14: {  	s11 =	sshll.u32 s10, $0x6  }
0x15: {  	s11 =	sadd.s32 s5, s11  }
0x16: {  	s12 =	sshrl.u32 s11, $0x3  }
0x17: {  	s13 =	sadd.s32 s6, s12  }
0x18: {  	[tilespmem:s4], [sflag:$0x2] =	stream.linear.gather [hbm4b:s13+s4], $0x40, $0x38;
	[tilespmem:$0x12600] =	vst v63  }
0x19: {  	_ =	swait.ge [sflag:s16], $0x40  }
0x1a: {  	[sflag:s16] =	ssyncset.done $0x0  }
0x1b: {  	s12 =	sadd.s32 s7, s12;
	[sflag:s16] =	ssyncadd.s32 $0xFFFFFFC0  }
0x1c: {  	[tilespmem:s17], [sflag:$0x2] =	stream.linear.gather [hbm4b:s12+s4], $0x40, $0x38;
	[tilespmem:$0x12600] =	vst v63  }
0x1d: {  	_ =	swait.ge [sflag:s16], $0x40  }
0x1e: {  	s11 =	sshrl.u32 s11, $0x1;
	[sflag:s16] =	ssyncset.done $0x0  }
0x1f: {  	s15 =	sadd.s32 s8, s11;
	[sflag:s16] =	ssyncadd.s32 $0xFFFFFFC0  }
0x20: {  	[tilespmem:s18], [sflag:$0x2] =	stream.linear.gather [hbm4b:s15+s4], $0x80, $0x38;
	[tilespmem:$0x12600] =	vst v63  }
0x21: {  	_ =	swait.ge [sflag:s16], $0x80  }
0x22: {  	[sflag:s16] =	ssyncset.done $0x0  }
0x23: {  	s11 =	sadd.s32 s11, s9;
	[sflag:s16] =	ssyncadd.s32 $0xFFFFFF80  }
0x24: {  	[tilespmem:s19], [sflag:$0x2] =	stream.linear.gather [hbm4b:s11+s4], $0x80, $0x38;
	[tilespmem:$0x12600] =	vst v63  }
0x25: {  	_ =	swait.ge [sflag:s16], $0x80  }
0x26: {  	[sflag:s16] =	ssyncset.done $0x0  }
0x27: {  	[sflag:s16] =	ssyncadd.s32 $0xFFFFFF80  }
0x28: {  	[tilespmem:s21], [sflag:$0x1] =	stream.indirect.gather [hbm4b:s1+s20], $0x80, s4, s20, $0xb8;
	[tilespmem:$0x12600] =	vst v63  }
0x29: {  	_ = 	snop  }
0x2a: {  	[tilespmem:s22], [sflag:$0x1] =	stream.indirect.gather [hbm4b:s3+s20], $0x80, s17, s20, $0xb8;
	[tilespmem:$0x12600] =	vst v63  }
0x2b: {  	_ = 	snop  }
0x2c: {  	[tilespmem:s23], [sflag:$0x1] =	stream.indirect.gather [hbm4b:s3+s17], $0x80, s18, s17, $0xb8;
	[tilespmem:$0x12600] =	vst v63  }
0x2d: {  	_ = 	snop  }
0x2e: {  	[tilespmem:s24], [sflag:$0x1] =	stream.indirect.gather [hbm4b:s3+s17], $0x80, s19, s17, $0xb8;
	[tilespmem:$0x12600] =	vst v63  }
0x2f: {  	_ =	swait.ge [sflag:s25], $0x2000  }
0x30: {  	[sflag:s25] =	ssyncset.done $0x0  }
0x31: {  	[sflag:s25] =	ssyncadd.s32 $0xFFFFE000  }
0x32: {  	_ =	swait.ge [sflag:s25], $0x2000  }
0x33: {  	[sflag:s25] =	ssyncset.done $0x0  }
0x34: {  	[sflag:s25] =	ssyncadd.s32 $0xFFFFE000  }
0x35: {  	_ =	swait.ge [sflag:s25], $0x4000  }
0x36: {  	[sflag:s25] =	ssyncset.done $0x0  }
0x37: {  	[sflag:s25] =	ssyncadd.s32 $0xFFFFC000  }
0x38: {  	_ =	swait.ge [sflag:s25], $0x4000  }
0x39: {  	s14 =	simm.s32 $0x4400;
	s13 =	simm.s32 $0x280;
	[sflag:s25] =	ssyncset.done $0x0  }
0x3a: {  	s12 =	simm.s32 $0x2280;
	s11 =	simm.s32 $0xFFFFFFFE;
	[sflag:s25] =	ssyncadd.s32 $0xFFFFC000  }
.LBB2_3:
0x3b: {  	v1 =	vld [tilespmem:s13+$0xFFFFFF80]  }
0x3c: {  	v2 =	vld [tilespmem:s12+$0xFFFFFF80]  }
0x3d: {  	v3 =	vld [tilespmem:s14+$0xFFFFFE00]  }
0x3e: {  	v4 =	vld [tilespmem:s14+$0xFFFFFE80]  }
0x3f: {  	v5 =	vld [tilespmem:s14+$0xFFFFFF00]  }
0x40: {  	v6 =	vld [tilespmem:s14+$0xFFFFFF80]  }
0x41: {  	v7 =	vld [tilespmem:s13+$0xFFFFFF90]  }
0x42: {  	v8 =	vld [tilespmem:s12+$0xFFFFFF90]  }
0x43: {  	v9 =	vld [tilespmem:s14+$0xFFFFFE10]  }
0x44: {  	v10 =	vld [tilespmem:s14+$0xFFFFFE90]  }
0x45: {  	v11 =	vld [tilespmem:s14+$0xFFFFFF10]  }
0x46: {  	v12 =	vld [tilespmem:s14+$0xFFFFFF90]  }
0x47: {  	v13 =	vld [tilespmem:s13+$0xFFFFFFA0]  }
0x48: {  	v14 =	vld [tilespmem:s12+$0xFFFFFFA0]  }
0x49: {  	v15 =	vld [tilespmem:s14+$0xFFFFFE20]  }
0x4a: {  	v16 =	vld [tilespmem:s14+$0xFFFFFEA0]  }
0x4b: {  	v17 =	vld [tilespmem:s14+$0xFFFFFF20]  }
0x4c: {  	v18 =	vld [tilespmem:s14+$0xFFFFFFA0]  }
0x4d: {  	v19 =	vld [tilespmem:s13+$0xFFFFFFB0]  }
0x4e: {  	v20 =	vld [tilespmem:s12+$0xFFFFFFB0]  }
0x4f: {  	v21 =	vld [tilespmem:s14+$0xFFFFFE30]  }
0x50: {  	v22 =	vld [tilespmem:s14+$0xFFFFFEB0]  }
0x51: {  	v23 =	vld [tilespmem:s14+$0xFFFFFF30]  }
0x52: {  	v24 =	vld [tilespmem:s14+$0xFFFFFFB0];
	v2 =	vmul.f32 v2, v1  }
0x53: {  	v25 =	vld [tilespmem:s13+$0xFFFFFFC0];
	v3 =	vmul.f32 v3, v1;
	v4 =	vmul.f32 v4, v1  }
0x54: {  	v26 =	vld [tilespmem:s12+$0xFFFFFFC0];
	v5 =	vmul.f32 v5, v1;
	v8 =	vmul.f32 v8, v7  }
0x55: {  	v27 =	vld [tilespmem:s14+$0xFFFFFE40];
	v1 =	vmul.f32 v6, v1;
	v39 =	vmul.f32 v9, v7  }
0x56: {  	v28 =	vld [tilespmem:s14+$0xFFFFFEC0];
	v41 =	vmul.f32 v10, v7;
	v43 =	vmul.f32 v11, v7  }
0x57: {  	v29 =	vld [tilespmem:s14+$0xFFFFFF40];
	v7 =	vmul.f32 v12, v7;
	v46 =	vmul.f32 v14, v13  }
0x58: {  	v40 =	vld [tilespmem:s14+$0xFFFFFFC0];
	v47 =	vmul.f32 v15, v13;
	v49 =	vmul.f32 v16, v13  }
0x59: {  	v42 =	vld [tilespmem:s13+$0xFFFFFFD0];
	v50 =	vmul.f32 v17, v13;
	v52 =	vmul.f32 v18, v13  }
0x5a: {  	v44 =	vld [tilespmem:s12+$0xFFFFFFD0];
	v54 =	vmul.f32 v20, v19;
	v56 =	vmul.f32 v21, v19  }
0x5b: {  	v45 =	vld [tilespmem:s14+$0xFFFFFE50];
	v57 =	vmul.f32 v22, v19;
	v59 =	vmul.f32 v23, v19  }
0x5c: {  	v48 =	vld [tilespmem:s14+$0xFFFFFED0];
	v60 =	vmul.f32 v24, v19;
	v62 =	vmul.f32 v26, v25  }
0x5d: {  	v51 =	vld [tilespmem:s14+$0xFFFFFF50];
	v24 =	vmul.f32 v27, v25;
	v2 =	vadd.f32 $0.0e+00, v2;
	v3 =	vadd.f32 $0.0e+00, v3  }
0x5e: {  	v53 =	vld [tilespmem:s14+$0xFFFFFFD0];
	v27 =	vmul.f32 v28, v25;
	v4 =	vadd.f32 $0.0e+00, v4;
	v5 =	vadd.f32 $0.0e+00, v5  }
0x5f: {  	v55 =	vld [tilespmem:s13+$0xFFFFFFE0];
	v28 =	vmul.f32 v29, v25;
	v1 =	vadd.f32 $0.0e+00, v1;
	v2 =	vadd.f32 v8, v2  }
0x60: {  	v61 =	vld [tilespmem:s14+$0xFFFFFE60];
	v30 =	vmul.f32 v40, v25;
	v3 =	vadd.f32 v39, v3;
	v4 =	vadd.f32 v41, v4  }
0x61: {  	v63 =	vld [tilespmem:s14+$0xFFFFFEE0];
	v31 =	vmul.f32 v44, v42;
	v5 =	vadd.f32 v43, v5;
	v1 =	vadd.f32 v7, v1  }
0x62: {  	v32 =	vld [tilespmem:s13+$0xFFFFFFF0];
	v33 =	vmul.f32 v45, v42;
	v2 =	vadd.f32 v46, v2;
	v3 =	vadd.f32 v47, v3  }
0x63: {  	v34 =	vld [tilespmem:s12+$0xFFFFFFF0];
	v35 =	vmul.f32 v48, v42;
	v4 =	vadd.f32 v49, v4;
	v5 =	vadd.f32 v50, v5  }
0x64: {  	v58 =	vld [tilespmem:s12+$0xFFFFFFE0];
	v37 =	vmul.f32 v51, v42;
	v1 =	vadd.f32 v52, v1;
	v2 =	vadd.f32 v54, v2  }
0x65: {  	v38 =	vld [tilespmem:s14+$0xFFFFFEF0];
	v10 =	vmul.f32 v53, v42;
	v3 =	vadd.f32 v56, v3;
	v4 =	vadd.f32 v57, v4  }
0x66: {  	v26 =	vld [tilespmem:s14+$0xFFFFFF60];
	v40 =	vmul.f32 v61, v55;
	v5 =	vadd.f32 v59, v5;
	v1 =	vadd.f32 v60, v1  }
0x67: {  	v36 =	vld [tilespmem:s14+$0xFFFFFE70];
	v42 =	vmul.f32 v63, v55;
	v2 =	vadd.f32 v62, v2;
	v3 =	vadd.f32 v24, v3  }
0x68: {  	v29 =	vld [tilespmem:s14+$0xFFFFFFE0];
	v44 =	vmul.f32 v34, v32;
	v4 =	vadd.f32 v27, v4;
	v5 =	vadd.f32 v28, v5  }
0x69: {  	v39 =	vmul.f32 v58, v55;
	v41 =	vld [tilespmem:s14+$0xFFFFFF70];
	v1 =	vadd.f32 v30, v1;
	v2 =	vadd.f32 v31, v2  }
0x6a: {  	v48 =	vmul.f32 v38, v32;
	v43 =	vld [tilespmem:s14+$0xFFFFFFF0];
	v3 =	vadd.f32 v33, v3;
	v4 =	vadd.f32 v35, v4  }
0x6b: {  	v45 =	vmul.f32 v26, v55;
	v5 =	vadd.f32 v37, v5;
	v2 =	vadd.f32 v39, v2  }
0x6c: {  	v46 =	vmul.f32 v36, v32;
	v1 =	vadd.f32 v10, v1;
	v3 =	vadd.f32 v40, v3  }
0x6d: {  	v47 =	vmul.f32 v29, v55;
	v4 =	vadd.f32 v42, v4;
	v2 =	vadd.f32 v44, v2  }
0x6e: {  	v49 =	vmul.f32 v41, v32;
	v5 =	vadd.f32 v45, v5;
	v3 =	vadd.f32 v46, v3  }
0x6f: {  	v50 =	vmul.f32 v43, v32;
	v1 =	vadd.f32 v47, v1;
	v4 =	vadd.f32 v48, v4;
	(xrf2) =	vadd.scan.msk.f32 $0xffff, v2  }
0x70: {  	v2 =	vadd.f32 v49, v5;
	(xrf2) =	vadd.scan.msk.f32 $0xffff, v3  }
0x71: {  	v1 =	vadd.f32 v50, v1;
	(xrf2) =	vadd.scan.msk.f32 $0xffff, v4  }
0x72: {  	s15 =	sadd.s32 s11, s0;
	(xrf2) =	vadd.scan.msk.f32 $0xffff, v2  }
0x73: {  	s2 =	sadd.s32 $0x2, s15;
	(xrf2) =	vadd.scan.msk.f32 $0xffff, v1  }
0x74: {  	v1 =	vmov s2  }
0x75: {  	v1 =	vand.u32 $0xFFFFFFFE, v1  }
0x76: {  	v1 =	vbroadcast v1, $0x0;
	_ =	sdelay $0x2  }
0x77: {  	v2, _, _ =	vpop (xrf2)  }
0x78: {  	v2 =	vperm.xlane v2, v0;
	v3, _, _ =	vpop (xrf2)  }
0x79: {  	v3 =	vperm.xlane v3, v0;
	v4, _, _ =	vpop (xrf2)  }
0x7a: {  	[tilespmem:v1+s26+$0x0] =	vst.idx.msk $0x1, v2;
	v2 =	vperm.xlane v4, v0;
	v51, _, _ =	vpop (xrf2)  }
0x7b: {  	[tilespmem:v1+s28+$0x0] =	vst.idx.msk $0x1, v3;
	v3 =	vperm.xlane v51, v0;
	v52, _, _ =	vpop (xrf2)  }
0x7c: {  	[tilespmem:v1+s29+$0x0] =	vst.idx.msk $0x1, v2;
	v2 =	vperm.xlane v52, v0  }
0x7d: {  	[tilespmem:v1+s30+$0x0] =	vst.idx.msk $0x1, v3  }
0x7e: {  	[tilespmem:v1+s31+$0x0] =	vst.idx.msk $0x1, v2  }
0x7f: {  	v1 =	vld [tilespmem:s13+$0x0]  }
0x80: {  	v2 =	vld [tilespmem:s12+$0x0]  }
0x81: {  	v3 =	vld [tilespmem:s14+$0x0]  }
0x82: {  	v53 =	vld [tilespmem:s14+$0x80]  }
0x83: {  	v54 =	vld [tilespmem:s14+$0x100]  }
0x84: {  	v55 =	vld [tilespmem:s14+$0x180]  }
0x85: {  	v56 =	vld [tilespmem:s13+$0x10]  }
0x86: {  	v57 =	vld [tilespmem:s12+$0x10]  }
0x87: {  	v58 =	vld [tilespmem:s14+$0x10]  }
0x88: {  	v59 =	vld [tilespmem:s14+$0x90]  }
0x89: {  	v60 =	vld [tilespmem:s14+$0x110]  }
0x8a: {  	v61 =	vld [tilespmem:s14+$0x190]  }
0x8b: {  	v62 =	vld [tilespmem:s13+$0x20]  }
0x8c: {  	v63 =	vld [tilespmem:s12+$0x20]  }
0x8d: {  	v32 =	vld [tilespmem:s14+$0x20]  }
0x8e: {  	v33 =	vld [tilespmem:s14+$0xA0]  }
0x8f: {  	v34 =	vld [tilespmem:s14+$0x120]  }
0x90: {  	v35 =	vld [tilespmem:s14+$0x1A0]  }
0x91: {  	v36 =	vld [tilespmem:s13+$0x30]  }
0x92: {  	v37 =	vld [tilespmem:s12+$0x30]  }
0x93: {  	v38 =	vld [tilespmem:s14+$0x30]  }
0x94: {  	v39 =	vld [tilespmem:s14+$0xB0]  }
0x95: {  	v40 =	vld [tilespmem:s14+$0x130]  }
0x96: {  	v41 =	vld [tilespmem:s14+$0x1B0];
	v2 =	vmul.f32 v2, v1  }
0x97: {  	v42 =	vld [tilespmem:s13+$0x40];
	v3 =	vmul.f32 v3, v1;
	v4 =	vmul.f32 v53, v1  }
0x98: {  	v43 =	vld [tilespmem:s12+$0x40];
	v5 =	vmul.f32 v54, v1;
	v8 =	vmul.f32 v57, v56  }
0x99: {  	v44 =	vld [tilespmem:s14+$0x40];
	v1 =	vmul.f32 v55, v1;
	v47 =	vmul.f32 v58, v56  }
0x9a: {  	v45 =	vld [tilespmem:s14+$0xC0];
	v49 =	vmul.f32 v59, v56;
	v51 =	vmul.f32 v60, v56  }
0x9b: {  	v46 =	vld [tilespmem:s14+$0x140];
	v7 =	vmul.f32 v61, v56;
	v54 =	vmul.f32 v63, v62  }
0x9c: {  	v48 =	vld [tilespmem:s14+$0x1C0];
	v55 =	vmul.f32 v32, v62;
	v57 =	vmul.f32 v33, v62  }
0x9d: {  	v50 =	vld [tilespmem:s13+$0x50];
	v58 =	vmul.f32 v34, v62;
	v60 =	vmul.f32 v35, v62  }
0x9e: {  	v52 =	vld [tilespmem:s12+$0x50];
	v62 =	vmul.f32 v37, v36;
	v21 =	vmul.f32 v38, v36  }
0x9f: {  	v30 =	vld [tilespmem:s12+$0x60];
	v22 =	vmul.f32 v39, v36;
	v31 =	vmul.f32 v40, v36  }
0xa0: {  	v53 =	vld [tilespmem:s14+$0x50];
	v32 =	vmul.f32 v41, v36;
	v34 =	vmul.f32 v43, v42  }
0xa1: {  	v56 =	vld [tilespmem:s14+$0xD0];
	v36 =	vmul.f32 v44, v42;
	v2 =	vadd.f32 $0.0e+00, v2;
	v3 =	vadd.f32 $0.0e+00, v3  }
0xa2: {  	v59 =	vld [tilespmem:s14+$0x150];
	v38 =	vmul.f32 v45, v42;
	v4 =	vadd.f32 $0.0e+00, v4;
	v5 =	vadd.f32 $0.0e+00, v5  }
0xa3: {  	v61 =	vld [tilespmem:s14+$0x1D0];
	v39 =	vmul.f32 v46, v42;
	v1 =	vadd.f32 $0.0e+00, v1;
	v2 =	vadd.f32 v8, v2  }
0xa4: {  	v63 =	vld [tilespmem:s13+$0x60];
	v41 =	vmul.f32 v48, v42;
	v3 =	vadd.f32 v47, v3;
	v4 =	vadd.f32 v49, v4  }
0xa5: {  	v33 =	vld [tilespmem:s14+$0x60];
	v42 =	vmul.f32 v52, v50;
	v5 =	vadd.f32 v51, v5;
	v1 =	vadd.f32 v7, v1  }
0xa6: {  	v35 =	vld [tilespmem:s14+$0xE0];
	v44 =	vmul.f32 v53, v50;
	v2 =	vadd.f32 v54, v2;
	v3 =	vadd.f32 v55, v3  }
0xa7: {  	v37 =	vld [tilespmem:s14+$0x160];
	v46 =	vmul.f32 v56, v50;
	v4 =	vadd.f32 v57, v4;
	v5 =	vadd.f32 v58, v5  }
0xa8: {  	v43 =	vld [tilespmem:s13+$0x70];
	v48 =	vmul.f32 v59, v50;
	v1 =	vadd.f32 v60, v1;
	v2 =	vadd.f32 v62, v2  }
0xa9: {  	v45 =	vld [tilespmem:s12+$0x70];
	v10 =	vmul.f32 v61, v50;
	v3 =	vadd.f32 v21, v3;
	v4 =	vadd.f32 v22, v4  }
0xaa: {  	v40 =	vld [tilespmem:s14+$0x1E0];
	v50 =	vmul.f32 v30, v63;
	v5 =	vadd.f32 v31, v5;
	v1 =	vadd.f32 v32, v1  }
0xab: {  	v47 =	vld [tilespmem:s14+$0x70];
	v51 =	vmul.f32 v33, v63;
	v2 =	vadd.f32 v34, v2;
	v3 =	vadd.f32 v36, v3  }
0xac: {  	v49 =	vld [tilespmem:s14+$0xF0];
	v53 =	vmul.f32 v35, v63;
	v4 =	vadd.f32 v38, v4;
	v5 =	vadd.f32 v39, v5  }
0xad: {  	v52 =	vld [tilespmem:s14+$0x170];
	v56 =	vmul.f32 v37, v63;
	v1 =	vadd.f32 v41, v1;
	v2 =	vadd.f32 v42, v2  }
0xae: {  	v54 =	vld [tilespmem:s14+$0x1F0];
	v55 =	vmul.f32 v45, v43;
	v3 =	vadd.f32 v44, v3;
	v4 =	vadd.f32 v46, v4  }
0xaf: {  	v58 =	vmul.f32 v40, v63;
	v5 =	vadd.f32 v48, v5;
	v2 =	vadd.f32 v50, v2  }
0xb0: {  	v57 =	vmul.f32 v47, v43;
	v1 =	vadd.f32 v10, v1;
	v3 =	vadd.f32 v51, v3  }
0xb1: {  	v59 =	vmul.f32 v49, v43;
	v4 =	vadd.f32 v53, v4;
	v2 =	vadd.f32 v55, v2  }
0xb2: {  	v60 =	vmul.f32 v52, v43;
	v5 =	vadd.f32 v56, v5;
	v3 =	vadd.f32 v57, v3  }
0xb3: {  	v61 =	vmul.f32 v54, v43;
	v1 =	vadd.f32 v58, v1;
	v4 =	vadd.f32 v59, v4;
	(xrf2) =	vadd.scan.msk.f32 $0xffff, v2  }
0xb4: {  	v2 =	vadd.f32 v60, v5;
	(xrf2) =	vadd.scan.msk.f32 $0xffff, v3  }
0xb5: {  	v1 =	vadd.f32 v61, v1;
	(xrf2) =	vadd.scan.msk.f32 $0xffff, v4  }
0xb6: {  	(xrf2) =	vadd.scan.msk.f32 $0xffff, v2  }
0xb7: {  	(xrf2) =	vadd.scan.msk.f32 $0xffff, v1;
	_ =	sdelay $0x2  }
0xb8: {  	s15 =	sadd.s32 $0x3, s15  }
0xb9: {  	v1 =	vmov s15;
	_ =	sdelay $0x1  }
0xba: {  	v2, _, _ =	vpop (xrf2)  }
0xbb: {  	s11 =	sadd.s32 $0x2, s11;
	v3, _, _ =	vpop (xrf2);
	v2 =	vperm.xlane v2, v0  }
0xbc: {  	p0 =	slt.u32 s11, $0x3E;
	v4, _, _ =	vpop (xrf2);
	v3 =	vperm.xlane v3, v0  }
.Ltmp0:
0xbd: {  	v62, _, _ =	vpop (xrf2);
	[tilespmem:v1+s26+$0x0] =	vst.idx.msk $0x1, v2;
	v2 =	vperm.xlane v4, v0;
	(pc) =	sbr.rel @p0 .LBB2_3-.Ltmp0, $4  }
0xbe: {  	[tilespmem:v1+s28+$0x0] =	vst.idx.msk $0x1, v3;
	v3 =	vperm.xlane v62, v0;
	v63, _, _ =	vpop (xrf2)  }
0xbf: {  	[tilespmem:v1+s29+$0x0] =	vst.idx.msk $0x1, v2;
	v2 =	vperm.xlane v63, v0  }
0xc0: {  	[tilespmem:v1+s30+$0x0] =	vst.idx.msk $0x1, v3  }
0xc1: {  	s12 =	sadd.s32 $0x100, s12;
	s13 =	sadd.s32 $0x100, s13;
	s14 =	sadd.s32 $0x400, s14;
	[tilespmem:v1+s31+$0x0] =	vst.idx.msk $0x1, v2  }
0xc2: {  	s10 =	sadd.s32 $0x1, s10  }
0xc3: {  	p0 =	sne.s32 s10, $0x4F  }
.Ltmp1:
0xc4: {  	_ = 	snop;
	(pc) =	sbr.rel @p0 .LBB2_2-.Ltmp1, $2  }
0xc5: {  	_ =	sdelay $0x2  }
0xc6: {  	s0 =	sadd.s32 $0x40, s0  }
0xc7: {  	s0 =	rddreg [dreg:$0x4]  }
0xc8: {  	[hbm4b:s0+s4] =	stream.linear.scatter [tilespmem:s26], [sflag:$0x2], $0x13C0, $0x38;
	[tilespmem:$0x12600] =	vst v63  }
0xc9: {  	_ =	swait.ge [sflag:s16], $0x13C0  }
0xca: {  	[sflag:s16] =	ssyncset.done $0x0  }
0xcb: {  	s11 =	rddreg [dreg:$0x5];
	[sflag:s16] =	ssyncadd.s32 $0xFFFFEC40  }
0xcc: {  	[hbm4b:s11+s4] =	stream.linear.scatter [tilespmem:s28], [sflag:$0x2], $0x13C0, $0x38;
	[tilespmem:$0x12600] =	vst v63  }
0xcd: {  	_ =	swait.ge [sflag:s16], $0x13C0  }
0xce: {  	[sflag:s16] =	ssyncset.done $0x0  }
0xcf: {  	s12 =	rddreg [dreg:$0x6];
	[sflag:s16] =	ssyncadd.s32 $0xFFFFEC40  }
0xd0: {  	[hbm4b:s12+s4] =	stream.linear.scatter [tilespmem:s29], [sflag:$0x2], $0x13C0, $0x38;
	[tilespmem:$0x12600] =	vst v63  }
0xd1: {  	_ =	swait.ge [sflag:s16], $0x13C0  }
0xd2: {  	[sflag:s16] =	ssyncset.done $0x0  }
0xd3: {  	s13 =	rddreg [dreg:$0x7];
	[sflag:s16] =	ssyncadd.s32 $0xFFFFEC40  }
0xd4: {  	[hbm4b:s13+s4] =	stream.linear.scatter [tilespmem:s30], [sflag:$0x2], $0x13C0, $0x38;
	[tilespmem:$0x12600] =	vst v63  }
0xd5: {  	_ =	swait.ge [sflag:s16], $0x13C0  }
0xd6: {  	[sflag:s16] =	ssyncset.done $0x0  }
0xd7: {  	s14 =	rddreg [dreg:$0x8];
	[sflag:s16] =	ssyncadd.s32 $0xFFFFEC40  }
0xd8: {  	[hbm4b:s14+s4] =	stream.linear.scatter [tilespmem:s31], [sflag:$0x2], $0x13C0, $0x38;
	[tilespmem:$0x12600] =	vst v63  }
0xd9: {  	_ =	swait.ge [sflag:s16], $0x13C0  }
0xda: {  	s2 =	rddreg [dreg:$0xa]  }
0xdb: {  	s15 =	rddreg [dreg:$0x9];
	s2 =	sadd.s32 $0x1, s2  }
0xdc: {  	p0 =	sne.s32 s2, s15  }
.Ltmp2:
0xdd: {  	_ = 	snop;
	(pc) =	sbr.rel @p0 .LBB2_1-.Ltmp2, $3  }
0xde: {  	_ =	sdelay $0x1  }
0xdf: {  	[sflag:s16] =	ssyncset.done $0x0  }
0xe0: {  	[sflag:s16] =	ssyncadd.s32 $0xFFFFEC40  }
0xe1: {  	_ =	sfence.sel $0x180000  }
0xe2: {  	[bflag:$0x0] =	sbarrier.arrive $0xFFFF  }
0xe3: {  	_ =	strace $0x90000047  }
0xe4: {  	s0 =	stileid.u32;
	[bflag:$0x2] =	sbarrier.arrive $0xFFFF  }
0xe5: {  	p0 =	sne.s32 s0, $0x0;
	s0 =	rddreg [dreg:$0x3]  }
0xe6: {  	s0 =	sadd.s32 @!p0 $0x100000, s0  }
0xe7: {  	[sflag:s0] =	ssyncadd.tile.s32 @!p0 $0x1;
	_ =	shalt  }
.Lfunc_end2:
_tile_overlayer_lowered:
.L_overlay_start_2:
0xe8: {  	(tag) =	ssettag $0x2  }
0xe9: {  	s0 =	rddreg [dreg:$0x0];
	s2 =	stileid.u32  }
0xea: {  	s1 =	rddreg [dreg:$0x1];
	p0 =	sne.s32 s2, $0x0  }
0xeb: {  	s3 =	rddreg [dreg:$0x2];
	[bflag:$0x3] =	sbarrier.arrive $0xFFFF;
	s2 =	simm.s32 @!p0 $0x1C02  }
0xec: {  	[timem:s3], [sflag:s2] =	dma.local @!p0 [hbm:s0], s1  }
0xed: {  	s0 =	simm.s32 @!p0 $0x2  }
0xee: {  	_ =	swait.ge @!p0 [sflag:s0], s1  }
0xef: {  	s1 =	ssub.s32 @!p0 $0x0, s1;
	[sflag:s0] =	ssyncset.done @!p0 $0x0  }
0xf0: {  	[sflag:s0] =	ssyncadd.s32 @!p0 s1  }
0xf1: {  	[bflag:$0x3] =	sbarrier.arrive $0xFFFF  }
0xf2: {  	_ =	shalt  }

</sc_bundles>
